<compile_context>
chip_gen: v7x
topology: tpu7x:2x2x1
jax: 0.10.2.dev20260603
libtpu: 0.0.44.dev20260713+nightly
codegen_flags: <defaults>
</compile_context>

<pallas_src>
import functools

import jax
import jax.numpy as jnp
from jax import lax
from jax.experimental import pallas as pl
from jax.experimental.pallas import tpu as pltpu
from jax.experimental.pallas import tpu_sc as plsc

B, H, W, C = 8, 112, 112, 96
P_IN = H * W
P_OUT = 4 * P_IN
CT = 16
NG = C // CT
N_JOBS = B * NG
NC, NS = 2, 16
JOBS_PER = N_JOBS // NC
POS_T = P_IN // NS
CHUNK = POS_T * CT // 128
DEPTH = 8
ACC = P_OUT * CT
ACC_T = ACC // NS
NRB = 16
ZCH = ACC_T // NRB
RROWS = ZCH // CT

_mesh = plsc.VectorSubcoreMesh(
    core_axis_name="c", subcore_axis_name="s", num_cores=NC, num_subcores=NS
)


@functools.partial(
    pl.kernel,
    out_type=jax.ShapeDtypeStruct((B, P_OUT, C), jnp.float32),
    mesh=_mesh,
    scratch_types=[
        pltpu.VMEM((POS_T, CT), jnp.int32),
        pltpu.VMEM((POS_T, CT), jnp.float32),
        pltpu.VMEM((CHUNK, 128), jnp.int32),
        pltpu.VMEM((CHUNK, 128), jnp.float32),
        pltpu.VMEM((2, ZCH), jnp.float32),
        pltpu.VMEM((2, RROWS, CT), jnp.float32),
        pltpu.VMEM((ZCH,), jnp.float32),
        pltpu.VMEM_SHARED((ACC,), jnp.float32),
        pltpu.SemaphoreType.DMA,
        pltpu.SemaphoreType.DMA,
        pltpu.SemaphoreType.DMA,
        pltpu.SemaphoreType.DMA,
        pltpu.SemaphoreType.DMA,
    ],
    compiler_params=pltpu.CompilerParams(use_tc_tiling_on_sc=False),
)
def _unpool_sc(upd_hbm, mask_hbm, out_hbm, mask_v, upd_v, idx_v, val_v,
               tmp_v, t2d_v, zero_v, acc_sh, sem_s, sem_in, sem_rb, sem_out,
               sem_z):
    cid = lax.axis_index("c")
    sid = lax.axis_index("s")
    dc0 = lax.iota(jnp.int32, 16)
    third = jnp.float32(1.0 / 3.0)

    tb = sid * ACC_T
    rb = sid * (P_OUT // NS)

    def in_desc(k):
        g = k * NC + cid
        b = g // NG
        c0 = (g % NG) * CT
        src_m = mask_hbm.at[b, pl.ds(sid * POS_T, POS_T), pl.ds(c0, CT)]
        src_u = upd_hbm.at[b, pl.ds(sid * POS_T, POS_T), pl.ds(c0, CT)]
        return (
            pltpu.make_async_copy(src_m, mask_v, sem_in),
            pltpu.make_async_copy(src_u, upd_v, sem_in),
        )

    def scat_desc(j):
        return pltpu.make_async_copy(
            val_v.at[j], acc_sh.at[idx_v.at[j]], sem_s
        )

    def zinit(i, carry):
        zero_v[pl.ds(i * 16, 16)] = jnp.zeros((16,), jnp.float32)
        return carry

    lax.fori_loop(0, ZCH // 16, zinit, 0)

    for d in in_desc(0):
        d.start()

    def zslice(i, c):
        pltpu.async_copy(zero_v, acc_sh.at[pl.ds(tb + i * ZCH, ZCH)], sem_z)
        return c

    lax.fori_loop(0, NRB, zslice, 0)

    def zdrain(i, c):
        pltpu.make_async_copy(
            zero_v, acc_sh.at[pl.ds(tb + i * ZCH, ZCH)], sem_z
        ).wait()
        return c

    lax.fori_loop(0, NRB, zdrain, 0)
    plsc.subcore_barrier()

    def job_body(k, carry):
        g = k * NC + cid
        b = g // NG
        c0 = (g % NG) * CT
        for d in in_desc(k):
            d.wait()

        def chunk_body(j, c):
            @pl.when(j >= DEPTH)
            def _():
                scat_desc(j - DEPTH).wait()

            for q in range(8):
                pos = j * 8 + q
                m = mask_v[pos, :]
                t1 = jnp.right_shift(m, 5)
                qi = (t1.astype(jnp.float32) * third).astype(jnp.int32)
                r = t1 - (qi + qi + qi)
                qi = jnp.where(r >= 3, qi + 1, qi)
                a = jnp.left_shift(qi, 4) + dc0
                idx_v[j, pl.ds(q * 16, 16)] = a
                val_v[j, pl.ds(q * 16, 16)] = upd_v[pos, :]
            pltpu.async_copy(
                val_v.at[j], acc_sh.at[idx_v.at[j]], sem_s, add=True
            )
            return c

        lax.fori_loop(0, CHUNK, chunk_body, 0)

        def sdrain(j, c):
            scat_desc(CHUNK - DEPTH + j).wait()
            return c

        lax.fori_loop(0, DEPTH, sdrain, 0)

        @pl.when(k + 1 < JOBS_PER)
        def _():
            for d in in_desc(k + 1):
                d.start()

        plsc.subcore_barrier()

        def rb_in(i, buf):
            return pltpu.make_async_copy(
                acc_sh.at[pl.ds(tb + i * ZCH, ZCH)], tmp_v.at[buf], sem_rb
            )

        def rb_out(i, buf):
            return pltpu.make_async_copy(
                t2d_v.at[buf],
                out_hbm.at[b, pl.ds(rb + i * RROWS, RROWS), pl.ds(c0, CT)],
                sem_out,
            )

        rb_in(0, 0).start()

        def rb_body(i, c):
            buf = jnp.bitwise_and(i, 1)

            @pl.when(i + 1 < NRB)
            def _():
                rb_in(i + 1, 1 - buf).start()

            rb_in(i, buf).wait()
            pltpu.async_copy(
                zero_v, acc_sh.at[pl.ds(tb + i * ZCH, ZCH)], sem_z
            )

            @pl.when(i >= 2)
            def _():
                rb_out(i - 2, buf).wait()

            def cp(rr, cc):
                t2d_v[buf, rr, :] = tmp_v[buf, pl.ds(rr * CT, CT)]
                return cc

            lax.fori_loop(0, RROWS, cp, 0)
            rb_out(i, buf).start()
            return c

        lax.fori_loop(0, NRB, rb_body, 0)
        rb_out(NRB - 2, 0).wait()
        rb_out(NRB - 1, 1).wait()
        lax.fori_loop(0, NRB, zdrain, 0)
        plsc.subcore_barrier()
        return carry

    lax.fori_loop(0, JOBS_PER, job_body, 0)


@jax.jit
def kernel(updates, mask):
    upd = updates.reshape(B, P_IN, C)
    msk = mask.astype(jnp.int32).reshape(B, P_IN, C)
    out = _unpool_sc(upd, msk)
    return out.reshape(B, 2 * H, 2 * W, C)

# --- scband reference (transcript-rebuilt; emitter-appended) ---
"""Pipeline reference for scband-max-unpooling2-d-63694365000415 (READ-ONLY COPY).

The authoritative reference and input builder live on the scoring server;
editing this copy changes nothing except your own understanding.
"""

import jax, jax.numpy as jnp
import numpy as np

POOL = (2, 2)

def setup_inputs(seed: int = 0) -> dict:
    key = jax.random.key(seed)
    updates = jax.random.normal(jax.random.fold_in(key, 0), (8, 112, 112, 96), dtype=jnp.float32)
    mask = jax.random.randint(jax.random.fold_in(key, 1), (8, 112, 112, 96), 0, 224 * 224 * 96, dtype=jnp.int32)
    return {"updates": updates, "mask": mask}

def reference(updates, mask):
    # Faithful port of MaxUnpooling2D.call
    mask = mask.astype(jnp.int32)
    B, H, W, C = updates.shape
    Ho = H * POOL[0]
    Wo = W * POOL[1]
    one_like_mask = jnp.ones_like(mask)
    batch_range = jnp.arange(B, dtype=jnp.int32).reshape(B, 1, 1, 1)
    b = one_like_mask * batch_range
    y = mask // (Wo * C)
    x = (mask // C) % Wo
    feature_range = jnp.arange(C, dtype=jnp.int32)
    f = one_like_mask * feature_range
    values = updates.reshape(-1)
    # tf.scatter_nd sums duplicate indices -> .at[...].add
    out = jnp.zeros((B, Ho, Wo, C), dtype=updates.dtype)
    out = out.at[b.reshape(-1), y.reshape(-1), x.reshape(-1), f.reshape(-1)].add(values)
    return out

if __name__ == "__main__":
    import jax
    _d = setup_inputs()
    print(jax.jit(kernel)(*tuple(_d.values())))

</pallas_src>

<mosaic_0001>
#map = affine_map<(d0, d1) -> (0, 0, 0)>
module attributes {stable_mosaic.version = 14 : i64} {
  func.func @_unpool_sc(%arg0: i32, %arg1: i32, %arg2: memref<8x12544x96xf32, #tpu.memory_space<hbm>>, %arg3: memref<8x12544x96xi32, #tpu.memory_space<hbm>>, %arg4: memref<8x50176x96xf32, #tpu.memory_space<hbm>>, %arg5: memref<784x16xi32, #tpu.memory_space<vmem>>, %arg6: memref<784x16xf32, #tpu.memory_space<vmem>>, %arg7: memref<98x128xi32, #tpu.memory_space<vmem>>, %arg8: memref<98x128xf32, #tpu.memory_space<vmem>>, %arg9: memref<2x3136xf32, #tpu.memory_space<vmem>>, %arg10: memref<2x196x16xf32, #tpu.memory_space<vmem>>, %arg11: memref<3136xf32, #tpu.memory_space<vmem>>, %arg12: memref<802816xf32, #tpu.memory_space<vmem_shared>>, %arg13: memref<!tpu.dma_semaphore, #tpu.memory_space<semaphore_mem>>, %arg14: memref<!tpu.dma_semaphore, #tpu.memory_space<semaphore_mem>>, %arg15: memref<!tpu.dma_semaphore, #tpu.memory_space<semaphore_mem>>, %arg16: memref<!tpu.dma_semaphore, #tpu.memory_space<semaphore_mem>>, %arg17: memref<!tpu.dma_semaphore, #tpu.memory_space<semaphore_mem>>) attributes {dimension_semantics = [#tpu.dimension_semantics<core_parallel>, #tpu.dimension_semantics<subcore_parallel>], iteration_bounds = array<i64: 2, 16>, scalar_prefetch = 0 : i64, scratch_operands = 13 : i64, tpu.core_type = #tpu.core_type<sc_vector_subcore>, window_params = [{transform_indices = #map}, {transform_indices = #map}, {transform_indices = #map}]} {
    %iota3A = tpu.iota {dimensions = array<i32: 0>} : vector<16xi32>
    %mul3A = arith.constant 50176 : i32
    %mul3A_0 = arith.muli %arg1, %mul3A : i32
    %mul3A_1 = arith.constant 3136 : i32
    %mul3A_2 = arith.muli %arg1, %mul3A_1 : i32
    %scan3A = arith.constant 0 : i32
    %scan3A_3 = arith.constant 0 : i32
    %scan3A_4 = arith.constant 196 : i32
    %scan3A_5 = arith.addi %scan3A_3, %scan3A_4 : i32
    %scan3A_6 = arith.constant 1 : i32
    scf.for %scan3A_71 = %scan3A_3 to %scan3A_5 step %scan3A_6  : i32 {
      %broadcast_in_dim3A = arith.constant 0.000000e+00 : f32
      %broadcast_in_dim3A_72 = vector.broadcast %broadcast_in_dim3A : f32 to vector<16xf32>
      %mul3A_73 = arith.constant 16 : i32
      %mul3A_74 = arith.muli %scan3A_71, %mul3A_73 : i32
      %swap3A = arith.index_cast %mul3A_74 : i32 to index
      %swap3A_75 = tpu.vector_load %arg11[%swap3A] {strides = array<i32>} : memref<3136xf32, #tpu.memory_space<vmem>>, vector<16xf32>,
      %swap3A_76 = vector.shape_cast %swap3A_75 : vector<16xf32> to vector<16xf32>
      %swap3A_77 = vector.shape_cast %broadcast_in_dim3A_72 : vector<16xf32> to vector<16xf32>
      tpu.vector_store %arg11[%swap3A], %swap3A_77 {strides = array<i32>} : memref<3136xf32, #tpu.memory_space<vmem>>, vector<16xf32>,
    }
    %scan3A_7 = arith.constant 196 : i32
    %add3A = arith.constant 0 : i32
    %add3A_8 = arith.addi %add3A, %arg0 : i32
    %jit3A = arith.constant 6 : i32
    %div3A = arith.divsi %add3A_8, %jit3A : i32
    %sign3A = arith.constant 0 : i32
    %sign3A_9 = arith.cmpi sgt, %add3A_8, %sign3A : i32
    %sign3A_10 = arith.extui %sign3A_9 : i1 to i32
    %sign3A_11 = arith.constant 0 : i32
    %sign3A_12 = arith.cmpi slt, %add3A_8, %sign3A_11 : i32
    %sign3A_13 = arith.extui %sign3A_12 : i1 to i32
    %sign3A_14 = arith.subi %sign3A_10, %sign3A_13 : i32
    %sign3A_15 = arith.constant 0 : i32
    %sign3A_16 = arith.cmpi sgt, %jit3A, %sign3A_15 : i32
    %sign3A_17 = arith.extui %sign3A_16 : i1 to i32
    %sign3A_18 = arith.constant 0 : i32
    %sign3A_19 = arith.cmpi slt, %jit3A, %sign3A_18 : i32
    %sign3A_20 = arith.extui %sign3A_19 : i1 to i32
    %sign3A_21 = arith.subi %sign3A_17, %sign3A_20 : i32
    %ne3A = arith.cmpi ne, %sign3A_14, %sign3A_21 : i32
    %rem3A = arith.remsi %add3A_8, %jit3A : i32
    %ne3A_22 = arith.constant 0 : i32
    %ne3A_23 = arith.cmpi ne, %rem3A, %ne3A_22 : i32
    %and3A = arith.andi %ne3A, %ne3A_23 : i1
    %sub3A = arith.constant 1 : i32
    %sub3A_24 = arith.subi %div3A, %sub3A : i32
    %select_n3A = arith.select %and3A, %sub3A_24, %div3A : i32
    %jit3A_25 = arith.constant 6 : i32
    %eq3A = arith.constant 0 : i32
    %eq3A_26 = arith.cmpi eq, %jit3A_25, %eq3A : i32
    %jit3A_27 = arith.constant 1 : i32
    %select_n3A_28 = arith.select %eq3A_26, %jit3A_27, %jit3A_25 : i32
    %rem3A_29 = arith.remsi %add3A_8, %select_n3A_28 : i32
    %ne3A_30 = arith.constant 0 : i32
    %ne3A_31 = arith.cmpi ne, %rem3A_29, %ne3A_30 : i32
    %lt3A = arith.constant 0 : i32
    %lt3A_32 = arith.cmpi slt, %rem3A_29, %lt3A : i32
    %lt3A_33 = arith.constant 0 : i32
    %lt3A_34 = arith.cmpi slt, %select_n3A_28, %lt3A_33 : i32
    %ne3A_35 = arith.xori %lt3A_32, %lt3A_34 : i1
    %and3A_36 = arith.andi %ne3A_35, %ne3A_31 : i1
    %add3A_37 = arith.addi %rem3A_29, %select_n3A_28 : i32
    %select_n3A_38 = arith.select %and3A_36, %add3A_37, %rem3A_29 : i32
    %mul3A_39 = arith.constant 16 : i32
    %mul3A_40 = arith.muli %select_n3A_38, %mul3A_39 : i32
    %mul3A_41 = arith.constant 784 : i32
    %mul3A_42 = arith.muli %arg1, %mul3A_41 : i32
    %mul3A_43 = arith.constant 784 : i32
    %mul3A_44 = arith.muli %arg1, %mul3A_43 : i32
    %dma_start3A = tpu.memref_slice %arg3[%select_n3A, %mul3A_42, %mul3A_40] : memref<8x12544x96xi32, #tpu.memory_space<hbm>> -> memref<1x784x16xi32, #tpu.memory_space<hbm>>
    %dma_start3A_45 = tpu.memref_squeeze %dma_start3A : memref<1x784x16xi32, #tpu.memory_space<hbm>> -> memref<784x16xi32, #tpu.memory_space<hbm>>
    %dma_start3A_46 = tpu.memref_slice %arg3[%select_n3A, %mul3A_42, %mul3A_40] : memref<8x12544x96xi32, #tpu.memory_space<hbm>> -> memref<1x784x16xi32, #tpu.memory_space<hbm>>
    %dma_start3A_47 = tpu.memref_squeeze %dma_start3A_46 : memref<1x784x16xi32, #tpu.memory_space<hbm>> -> memref<784x16xi32, #tpu.memory_space<hbm>>
    tpu.enqueue_dma source(%dma_start3A_47 : memref<784x16xi32, #tpu.memory_space<hbm>>) target(%arg5 : memref<784x16xi32, #tpu.memory_space<vmem>>) target_semaphore(%arg14 : memref<!tpu.dma_semaphore, #tpu.memory_space<semaphore_mem>>)
    %dma_start3A_48 = tpu.memref_slice %arg2[%select_n3A, %mul3A_44, %mul3A_40] : memref<8x12544x96xf32, #tpu.memory_space<hbm>> -> memref<1x784x16xf32, #tpu.memory_space<hbm>>
    %dma_start3A_49 = tpu.memref_squeeze %dma_start3A_48 : memref<1x784x16xf32, #tpu.memory_space<hbm>> -> memref<784x16xf32, #tpu.memory_space<hbm>>
    %dma_start3A_50 = tpu.memref_slice %arg2[%select_n3A, %mul3A_44, %mul3A_40] : memref<8x12544x96xf32, #tpu.memory_space<hbm>> -> memref<1x784x16xf32, #tpu.memory_space<hbm>>
    %dma_start3A_51 = tpu.memref_squeeze %dma_start3A_50 : memref<1x784x16xf32, #tpu.memory_space<hbm>> -> memref<784x16xf32, #tpu.memory_space<hbm>>
    tpu.enqueue_dma source(%dma_start3A_51 : memref<784x16xf32, #tpu.memory_space<hbm>>) target(%arg6 : memref<784x16xf32, #tpu.memory_space<vmem>>) target_semaphore(%arg14 : memref<!tpu.dma_semaphore, #tpu.memory_space<semaphore_mem>>)
    %scan3A_52 = arith.constant 0 : i32
    %scan3A_53 = arith.constant 0 : i32
    %scan3A_54 = arith.constant 16 : i32
    %scan3A_55 = arith.addi %scan3A_53, %scan3A_54 : i32
    %scan3A_56 = arith.constant 1 : i32
    scf.for %scan3A_71 = %scan3A_53 to %scan3A_55 step %scan3A_56  : i32 {
      %mul3A_72 = arith.constant 3136 : i32
      %mul3A_73 = arith.muli %scan3A_71, %mul3A_72 : i32
      %add3A_74 = arith.addi %mul3A_0, %mul3A_73 : i32
      %dma_start3A_75 = tpu.memref_slice %arg12[%add3A_74] : memref<802816xf32, #tpu.memory_space<vmem_shared>> -> memref<3136xf32, #tpu.memory_space<vmem_shared>>
      %dma_start3A_76 = tpu.memref_slice %arg12[%add3A_74] : memref<802816xf32, #tpu.memory_space<vmem_shared>> -> memref<3136xf32, #tpu.memory_space<vmem_shared>>
      tpu.enqueue_dma source(%arg11 : memref<3136xf32, #tpu.memory_space<vmem>>) target(%dma_start3A_76 : memref<3136xf32, #tpu.memory_space<vmem_shared>>) target_semaphore(%arg17 : memref<!tpu.dma_semaphore, #tpu.memory_space<semaphore_mem>>)
    }
    %scan3A_57 = arith.constant 16 : i32
    %scan3A_58 = arith.constant 0 : i32
    %scan3A_59 = arith.constant 0 : i32
    %scan3A_60 = arith.constant 16 : i32
    %scan3A_61 = arith.addi %scan3A_59, %scan3A_60 : i32
    %scan3A_62 = arith.constant 1 : i32
    scf.for %scan3A_71 = %scan3A_59 to %scan3A_61 step %scan3A_62  : i32 {
      %mul3A_72 = arith.constant 3136 : i32
      %mul3A_73 = arith.muli %scan3A_71, %mul3A_72 : i32
      %add3A_74 = arith.addi %mul3A_0, %mul3A_73 : i32
      %dma_wait3A = tpu.memref_slice %arg12[%add3A_74] : memref<802816xf32, #tpu.memory_space<vmem_shared>> -> memref<3136xf32, #tpu.memory_space<vmem_shared>>
      %dma_wait3A_75 = tpu.memref_slice %arg12[%add3A_74] : memref<802816xf32, #tpu.memory_space<vmem_shared>> -> memref<3136xf32, #tpu.memory_space<vmem_shared>>
      tpu.wait_dma2 semaphore(%arg17 : memref<!tpu.dma_semaphore, #tpu.memory_space<semaphore_mem>>) src(%arg11 : memref<3136xf32, #tpu.memory_space<vmem>>) dst(%dma_wait3A_75 : memref<3136xf32, #tpu.memory_space<vmem_shared>>)
    }
    %scan3A_63 = arith.constant 16 : i32
    %barrier3A = arith.constant 0 : index
    tpu.barrier barrier_id(%barrier3A)
    %scan3A_64 = arith.constant 0 : i32
    %scan3A_65 = arith.constant 0.333333343 : f32
    %scan3A_66 = arith.constant 0 : i32
    %scan3A_67 = arith.constant 24 : i32
    %scan3A_68 = arith.addi %scan3A_66, %scan3A_67 : i32
    %scan3A_69 = arith.constant 1 : i32
    scf.for %scan3A_71 = %scan3A_66 to %scan3A_68 step %scan3A_69  : i32 {
      %mul3A_72 = arith.constant 2 : i32
      %mul3A_73 = arith.muli %scan3A_71, %mul3A_72 : i32
      %add3A_74 = arith.addi %mul3A_73, %arg0 : i32
      %jit3A_75 = arith.constant 6 : i32
      %div3A_76 = arith.divsi %add3A_74, %jit3A_75 : i32
      %sign3A_77 = arith.constant 0 : i32
      %sign3A_78 = arith.cmpi sgt, %add3A_74, %sign3A_77 : i32
      %sign3A_79 = arith.extui %sign3A_78 : i1 to i32
      %sign3A_80 = arith.constant 0 : i32
      %sign3A_81 = arith.cmpi slt, %add3A_74, %sign3A_80 : i32
      %sign3A_82 = arith.extui %sign3A_81 : i1 to i32
      %sign3A_83 = arith.subi %sign3A_79, %sign3A_82 : i32
      %sign3A_84 = arith.constant 0 : i32
      %sign3A_85 = arith.cmpi sgt, %jit3A_75, %sign3A_84 : i32
      %sign3A_86 = arith.extui %sign3A_85 : i1 to i32
      %sign3A_87 = arith.constant 0 : i32
      %sign3A_88 = arith.cmpi slt, %jit3A_75, %sign3A_87 : i32
      %sign3A_89 = arith.extui %sign3A_88 : i1 to i32
      %sign3A_90 = arith.subi %sign3A_86, %sign3A_89 : i32
      %ne3A_91 = arith.cmpi ne, %sign3A_83, %sign3A_90 : i32
      %rem3A_92 = arith.remsi %add3A_74, %jit3A_75 : i32
      %ne3A_93 = arith.constant 0 : i32
      %ne3A_94 = arith.cmpi ne, %rem3A_92, %ne3A_93 : i32
      %and3A_95 = arith.andi %ne3A_91, %ne3A_94 : i1
      %sub3A_96 = arith.constant 1 : i32
      %sub3A_97 = arith.subi %div3A_76, %sub3A_96 : i32
      %select_n3A_98 = arith.select %and3A_95, %sub3A_97, %div3A_76 : i32
      %jit3A_99 = arith.constant 6 : i32
      %eq3A_100 = arith.constant 0 : i32
      %eq3A_101 = arith.cmpi eq, %jit3A_99, %eq3A_100 : i32
      %jit3A_102 = arith.constant 1 : i32
      %select_n3A_103 = arith.select %eq3A_101, %jit3A_102, %jit3A_99 : i32
      %rem3A_104 = arith.remsi %add3A_74, %select_n3A_103 : i32
      %ne3A_105 = arith.constant 0 : i32
      %ne3A_106 = arith.cmpi ne, %rem3A_104, %ne3A_105 : i32
      %lt3A_107 = arith.constant 0 : i32
      %lt3A_108 = arith.cmpi slt, %rem3A_104, %lt3A_107 : i32
      %lt3A_109 = arith.constant 0 : i32
      %lt3A_110 = arith.cmpi slt, %select_n3A_103, %lt3A_109 : i32
      %ne3A_111 = arith.xori %lt3A_108, %lt3A_110 : i1
      %and3A_112 = arith.andi %ne3A_111, %ne3A_106 : i1
      %add3A_113 = arith.addi %rem3A_104, %select_n3A_103 : i32
      %select_n3A_114 = arith.select %and3A_112, %add3A_113, %rem3A_104 : i32
      %mul3A_115 = arith.constant 16 : i32
      %mul3A_116 = arith.muli %select_n3A_114, %mul3A_115 : i32
      %mul3A_117 = arith.constant 2 : i32
      %mul3A_118 = arith.muli %scan3A_71, %mul3A_117 : i32
      %add3A_119 = arith.addi %mul3A_118, %arg0 : i32
      %jit3A_120 = arith.constant 6 : i32
      %div3A_121 = arith.divsi %add3A_119, %jit3A_120 : i32
      %sign3A_122 = arith.constant 0 : i32
      %sign3A_123 = arith.cmpi sgt, %add3A_119, %sign3A_122 : i32
      %sign3A_124 = arith.extui %sign3A_123 : i1 to i32
      %sign3A_125 = arith.constant 0 : i32
      %sign3A_126 = arith.cmpi slt, %add3A_119, %sign3A_125 : i32
      %sign3A_127 = arith.extui %sign3A_126 : i1 to i32
      %sign3A_128 = arith.subi %sign3A_124, %sign3A_127 : i32
      %sign3A_129 = arith.constant 0 : i32
      %sign3A_130 = arith.cmpi sgt, %jit3A_120, %sign3A_129 : i32
      %sign3A_131 = arith.extui %sign3A_130 : i1 to i32
      %sign3A_132 = arith.constant 0 : i32
      %sign3A_133 = arith.cmpi slt, %jit3A_120, %sign3A_132 : i32
      %sign3A_134 = arith.extui %sign3A_133 : i1 to i32
      %sign3A_135 = arith.subi %sign3A_131, %sign3A_134 : i32
      %ne3A_136 = arith.cmpi ne, %sign3A_128, %sign3A_135 : i32
      %rem3A_137 = arith.remsi %add3A_119, %jit3A_120 : i32
      %ne3A_138 = arith.constant 0 : i32
      %ne3A_139 = arith.cmpi ne, %rem3A_137, %ne3A_138 : i32
      %and3A_140 = arith.andi %ne3A_136, %ne3A_139 : i1
      %sub3A_141 = arith.constant 1 : i32
      %sub3A_142 = arith.subi %div3A_121, %sub3A_141 : i32
      %select_n3A_143 = arith.select %and3A_140, %sub3A_142, %div3A_121 : i32
      %jit3A_144 = arith.constant 6 : i32
      %eq3A_145 = arith.constant 0 : i32
      %eq3A_146 = arith.cmpi eq, %jit3A_144, %eq3A_145 : i32
      %jit3A_147 = arith.constant 1 : i32
      %select_n3A_148 = arith.select %eq3A_146, %jit3A_147, %jit3A_144 : i32
      %rem3A_149 = arith.remsi %add3A_119, %select_n3A_148 : i32
      %ne3A_150 = arith.constant 0 : i32
      %ne3A_151 = arith.cmpi ne, %rem3A_149, %ne3A_150 : i32
      %lt3A_152 = arith.constant 0 : i32
      %lt3A_153 = arith.cmpi slt, %rem3A_149, %lt3A_152 : i32
      %lt3A_154 = arith.constant 0 : i32
      %lt3A_155 = arith.cmpi slt, %select_n3A_148, %lt3A_154 : i32
      %ne3A_156 = arith.xori %lt3A_153, %lt3A_155 : i1
      %and3A_157 = arith.andi %ne3A_156, %ne3A_151 : i1
      %add3A_158 = arith.addi %rem3A_149, %select_n3A_148 : i32
      %select_n3A_159 = arith.select %and3A_157, %add3A_158, %rem3A_149 : i32
      %mul3A_160 = arith.constant 16 : i32
      %mul3A_161 = arith.muli %select_n3A_159, %mul3A_160 : i32
      %mul3A_162 = arith.constant 784 : i32
      %mul3A_163 = arith.muli %arg1, %mul3A_162 : i32
      %mul3A_164 = arith.constant 784 : i32
      %mul3A_165 = arith.muli %arg1, %mul3A_164 : i32
      %dma_wait3A = tpu.memref_slice %arg3[%select_n3A_143, %mul3A_163, %mul3A_161] : memref<8x12544x96xi32, #tpu.memory_space<hbm>> -> memref<1x784x16xi32, #tpu.memory_space<hbm>>
      %dma_wait3A_166 = tpu.memref_squeeze %dma_wait3A : memref<1x784x16xi32, #tpu.memory_space<hbm>> -> memref<784x16xi32, #tpu.memory_space<hbm>>
      %dma_wait3A_167 = tpu.memref_slice %arg3[%select_n3A_143, %mul3A_163, %mul3A_161] : memref<8x12544x96xi32, #tpu.memory_space<hbm>> -> memref<1x784x16xi32, #tpu.memory_space<hbm>>
      %dma_wait3A_168 = tpu.memref_squeeze %dma_wait3A_167 : memref<1x784x16xi32, #tpu.memory_space<hbm>> -> memref<784x16xi32, #tpu.memory_space<hbm>>
      tpu.wait_dma2 semaphore(%arg14 : memref<!tpu.dma_semaphore, #tpu.memory_space<semaphore_mem>>) src(%dma_wait3A_168 : memref<784x16xi32, #tpu.memory_space<hbm>>) dst(%arg5 : memref<784x16xi32, #tpu.memory_space<vmem>>)
      %dma_wait3A_169 = tpu.memref_slice %arg2[%select_n3A_143, %mul3A_165, %mul3A_161] : memref<8x12544x96xf32, #tpu.memory_space<hbm>> -> memref<1x784x16xf32, #tpu.memory_space<hbm>>
      %dma_wait3A_170 = tpu.memref_squeeze %dma_wait3A_169 : memref<1x784x16xf32, #tpu.memory_space<hbm>> -> memref<784x16xf32, #tpu.memory_space<hbm>>
      %dma_wait3A_171 = tpu.memref_slice %arg2[%select_n3A_143, %mul3A_165, %mul3A_161] : memref<8x12544x96xf32, #tpu.memory_space<hbm>> -> memref<1x784x16xf32, #tpu.memory_space<hbm>>
      %dma_wait3A_172 = tpu.memref_squeeze %dma_wait3A_171 : memref<1x784x16xf32, #tpu.memory_space<hbm>> -> memref<784x16xf32, #tpu.memory_space<hbm>>
      tpu.wait_dma2 semaphore(%arg14 : memref<!tpu.dma_semaphore, #tpu.memory_space<semaphore_mem>>) src(%dma_wait3A_172 : memref<784x16xf32, #tpu.memory_space<hbm>>) dst(%arg6 : memref<784x16xf32, #tpu.memory_space<vmem>>)
      %scan3A_173 = arith.constant 0 : i32
      %scan3A_174 = arith.constant 0 : i32
      %scan3A_175 = arith.constant 98 : i32
      %scan3A_176 = arith.addi %scan3A_174, %scan3A_175 : i32
      %scan3A_177 = arith.constant 1 : i32
      scf.for %scan3A_245 = %scan3A_174 to %scan3A_176 step %scan3A_177  : i32 {
        %ge3A = arith.constant 8 : i32
        %ge3A_246 = arith.cmpi sge, %scan3A_245, %ge3A : i32
        %convert_element_type3A_247 = arith.extui %ge3A_246 : i1 to i32
        %cond3A_248 = arith.constant 0 : i32
        %cond3A_249 = arith.cmpi ne, %convert_element_type3A_247, %cond3A_248 : i32
        scf.if %cond3A_249 {
          %sub3A_598 = arith.constant 8 : i32
          %sub3A_599 = arith.subi %scan3A_245, %sub3A_598 : i32
          %dma_wait3A_600 = arith.constant 0 : i32
          %dma_wait3A_601 = tpu.memref_slice %arg8[%sub3A_599, %dma_wait3A_600] : memref<98x128xf32, #tpu.memory_space<vmem>> -> memref<1x128xf32, #tpu.memory_space<vmem>>
          %dma_wait3A_602 = tpu.memref_squeeze %dma_wait3A_601 : memref<1x128xf32, #tpu.memory_space<vmem>> -> memref<128xf32, #tpu.memory_space<vmem>>
          %dma_wait3A_603 = arith.constant 0 : i32
          %dma_wait3A_604 = tpu.memref_slice %arg7[%sub3A_599, %dma_wait3A_603] : memref<98x128xi32, #tpu.memory_space<vmem>> -> memref<1x128xi32, #tpu.memory_space<vmem>>
          %dma_wait3A_605 = tpu.memref_squeeze %dma_wait3A_604 : memref<1x128xi32, #tpu.memory_space<vmem>> -> memref<128xi32, #tpu.memory_space<vmem>>
          %dma_wait3A_606 = arith.constant 0 : i32
          %dma_wait3A_607 = tpu.memref_slice %arg12[%dma_wait3A_606] : memref<802816xf32, #tpu.memory_space<vmem_shared>> -> memref<802816xf32, #tpu.memory_space<vmem_shared>>
          tpu.wait_indirect_dma semaphore(%arg13 : memref<!tpu.dma_semaphore, #tpu.memory_space<semaphore_mem>>) src(%dma_wait3A_602 : memref<128xf32, #tpu.memory_space<vmem>>) dst(%dma_wait3A_607 : memref<802816xf32, #tpu.memory_space<vmem_shared>>)
        } else {
        }
        %mul3A_250 = arith.constant 8 : i32
        %mul3A_251 = arith.muli %scan3A_245, %mul3A_250 : i32
        %add3A_252 = arith.constant 0 : i32
        %add3A_253 = arith.addi %mul3A_251, %add3A_252 : i32
        %get3A = arith.index_cast %add3A_253 : i32 to index
        %get3A_254 = arith.constant 0 : index
        %get3A_255 = tpu.vector_load %arg5[%get3A, %get3A_254] {strides = array<i32>} : memref<784x16xi32, #tpu.memory_space<vmem>>, vector<1x16xi32>,
        %get3A_256 = vector.shape_cast %get3A_255 : vector<1x16xi32> to vector<16xi32>
        %shift_right_arithmetic3A = arith.constant 5 : i32
        %shift_right_arithmetic3A_257 = vector.broadcast %shift_right_arithmetic3A : i32 to vector<16xi32>
        %shift_right_arithmetic3A_258 = arith.shrsi %get3A_256, %shift_right_arithmetic3A_257 : vector<16xi32>
        %convert_element_type3A_259 = arith.sitofp %shift_right_arithmetic3A_258 : vector<16xi32> to vector<16xf32>
        %mul3A_260 = vector.broadcast %scan3A_65 : f32 to vector<16xf32>
        %mul3A_261 = arith.mulf %convert_element_type3A_259, %mul3A_260 : vector<16xf32>
        %convert_element_type3A_262 = arith.fptosi %mul3A_261 : vector<16xf32> to vector<16xi32>
        %add3A_263 = arith.addi %convert_element_type3A_262, %convert_element_type3A_262 : vector<16xi32>
        %add3A_264 = arith.addi %add3A_263, %convert_element_type3A_262 : vector<16xi32>
        %sub3A_265 = arith.subi %shift_right_arithmetic3A_258, %add3A_264 : vector<16xi32>
        %ge3A_266 = arith.constant 3 : i32
        %ge3A_267 = vector.broadcast %ge3A_266 : i32 to vector<16xi32>
        %ge3A_268 = arith.cmpi sge, %sub3A_265, %ge3A_267 : vector<16xi32>
        %add3A_269 = arith.constant 1 : i32
        %add3A_270 = vector.broadcast %add3A_269 : i32 to vector<16xi32>
        %add3A_271 = arith.addi %convert_element_type3A_262, %add3A_270 : vector<16xi32>
        %select_n3A_272 = arith.select %ge3A_268, %add3A_271, %convert_element_type3A_262 : vector<16xi1>, vector<16xi32>
        %shift_left3A = arith.constant 4 : i32
        %shift_left3A_273 = vector.broadcast %shift_left3A : i32 to vector<16xi32>
        %shift_left3A_274 = arith.shli %select_n3A_272, %shift_left3A_273 : vector<16xi32>
        %add3A_275 = arith.addi %shift_left3A_274, %iota3A : vector<16xi32>
        %swap3A = arith.index_cast %scan3A_245 : i32 to index
        %swap3A_276 = arith.constant 0 : index
        %swap3A_277 = tpu.vector_load %arg7[%swap3A, %swap3A_276] {strides = array<i32>} : memref<98x128xi32, #tpu.memory_space<vmem>>, vector<1x16xi32>,
        %swap3A_278 = vector.shape_cast %swap3A_277 : vector<1x16xi32> to vector<16xi32>
        %swap3A_279 = vector.shape_cast %add3A_275 : vector<16xi32> to vector<1x16xi32>
        tpu.vector_store %arg7[%swap3A, %swap3A_276], %swap3A_279 {strides = array<i32>} : memref<98x128xi32, #tpu.memory_space<vmem>>, vector<1x16xi32>,
        %get3A_280 = arith.index_cast %add3A_253 : i32 to index
        %get3A_281 = arith.constant 0 : index
        %get3A_282 = tpu.vector_load %arg6[%get3A_280, %get3A_281] {strides = array<i32>} : memref<784x16xf32, #tpu.memory_space<vmem>>, vector<1x16xf32>,
        %get3A_283 = vector.shape_cast %get3A_282 : vector<1x16xf32> to vector<16xf32>
        %swap3A_284 = arith.index_cast %scan3A_245 : i32 to index
        %swap3A_285 = arith.constant 0 : index
        %swap3A_286 = tpu.vector_load %arg8[%swap3A_284, %swap3A_285] {strides = array<i32>} : memref<98x128xf32, #tpu.memory_space<vmem>>, vector<1x16xf32>,
        %swap3A_287 = vector.shape_cast %swap3A_286 : vector<1x16xf32> to vector<16xf32>
        %swap3A_288 = vector.shape_cast %get3A_283 : vector<16xf32> to vector<1x16xf32>
        tpu.vector_store %arg8[%swap3A_284, %swap3A_285], %swap3A_288 {strides = array<i32>} : memref<98x128xf32, #tpu.memory_space<vmem>>, vector<1x16xf32>,
        %mul3A_289 = arith.constant 8 : i32
        %mul3A_290 = arith.muli %scan3A_245, %mul3A_289 : i32
        %add3A_291 = arith.constant 1 : i32
        %add3A_292 = arith.addi %mul3A_290, %add3A_291 : i32
        %get3A_293 = arith.index_cast %add3A_292 : i32 to index
        %get3A_294 = arith.constant 0 : index
        %get3A_295 = tpu.vector_load %arg5[%get3A_293, %get3A_294] {strides = array<i32>} : memref<784x16xi32, #tpu.memory_space<vmem>>, vector<1x16xi32>,
        %get3A_296 = vector.shape_cast %get3A_295 : vector<1x16xi32> to vector<16xi32>
        %shift_right_arithmetic3A_297 = arith.constant 5 : i32
        %shift_right_arithmetic3A_298 = vector.broadcast %shift_right_arithmetic3A_297 : i32 to vector<16xi32>
        %shift_right_arithmetic3A_299 = arith.shrsi %get3A_296, %shift_right_arithmetic3A_298 : vector<16xi32>
        %convert_element_type3A_300 = arith.sitofp %shift_right_arithmetic3A_299 : vector<16xi32> to vector<16xf32>
        %mul3A_301 = vector.broadcast %scan3A_65 : f32 to vector<16xf32>
        %mul3A_302 = arith.mulf %convert_element_type3A_300, %mul3A_301 : vector<16xf32>
        %convert_element_type3A_303 = arith.fptosi %mul3A_302 : vector<16xf32> to vector<16xi32>
        %add3A_304 = arith.addi %convert_element_type3A_303, %convert_element_type3A_303 : vector<16xi32>
        %add3A_305 = arith.addi %add3A_304, %convert_element_type3A_303 : vector<16xi32>
        %sub3A_306 = arith.subi %shift_right_arithmetic3A_299, %add3A_305 : vector<16xi32>
        %ge3A_307 = arith.constant 3 : i32
        %ge3A_308 = vector.broadcast %ge3A_307 : i32 to vector<16xi32>
        %ge3A_309 = arith.cmpi sge, %sub3A_306, %ge3A_308 : vector<16xi32>
        %add3A_310 = arith.constant 1 : i32
        %add3A_311 = vector.broadcast %add3A_310 : i32 to vector<16xi32>
        %add3A_312 = arith.addi %convert_element_type3A_303, %add3A_311 : vector<16xi32>
        %select_n3A_313 = arith.select %ge3A_309, %add3A_312, %convert_element_type3A_303 : vector<16xi1>, vector<16xi32>
        %shift_left3A_314 = arith.constant 4 : i32
        %shift_left3A_315 = vector.broadcast %shift_left3A_314 : i32 to vector<16xi32>
        %shift_left3A_316 = arith.shli %select_n3A_313, %shift_left3A_315 : vector<16xi32>
        %add3A_317 = arith.addi %shift_left3A_316, %iota3A : vector<16xi32>
        %swap3A_318 = arith.index_cast %scan3A_245 : i32 to index
        %swap3A_319 = arith.constant 16 : index
        %swap3A_320 = tpu.vector_load %arg7[%swap3A_318, %swap3A_319] {strides = array<i32>} : memref<98x128xi32, #tpu.memory_space<vmem>>, vector<1x16xi32>,
        %swap3A_321 = vector.shape_cast %swap3A_320 : vector<1x16xi32> to vector<16xi32>
        %swap3A_322 = vector.shape_cast %add3A_317 : vector<16xi32> to vector<1x16xi32>
        tpu.vector_store %arg7[%swap3A_318, %swap3A_319], %swap3A_322 {strides = array<i32>} : memref<98x128xi32, #tpu.memory_space<vmem>>, vector<1x16xi32>,
        %get3A_323 = arith.index_cast %add3A_292 : i32 to index
        %get3A_324 = arith.constant 0 : index
        %get3A_325 = tpu.vector_load %arg6[%get3A_323, %get3A_324] {strides = array<i32>} : memref<784x16xf32, #tpu.memory_space<vmem>>, vector<1x16xf32>,
        %get3A_326 = vector.shape_cast %get3A_325 : vector<1x16xf32> to vector<16xf32>
        %swap3A_327 = arith.index_cast %scan3A_245 : i32 to index
        %swap3A_328 = arith.constant 16 : index
        %swap3A_329 = tpu.vector_load %arg8[%swap3A_327, %swap3A_328] {strides = array<i32>} : memref<98x128xf32, #tpu.memory_space<vmem>>, vector<1x16xf32>,
        %swap3A_330 = vector.shape_cast %swap3A_329 : vector<1x16xf32> to vector<16xf32>
        %swap3A_331 = vector.shape_cast %get3A_326 : vector<16xf32> to vector<1x16xf32>
        tpu.vector_store %arg8[%swap3A_327, %swap3A_328], %swap3A_331 {strides = array<i32>} : memref<98x128xf32, #tpu.memory_space<vmem>>, vector<1x16xf32>,
        %mul3A_332 = arith.constant 8 : i32
        %mul3A_333 = arith.muli %scan3A_245, %mul3A_332 : i32
        %add3A_334 = arith.constant 2 : i32
        %add3A_335 = arith.addi %mul3A_333, %add3A_334 : i32
        %get3A_336 = arith.index_cast %add3A_335 : i32 to index
        %get3A_337 = arith.constant 0 : index
        %get3A_338 = tpu.vector_load %arg5[%get3A_336, %get3A_337] {strides = array<i32>} : memref<784x16xi32, #tpu.memory_space<vmem>>, vector<1x16xi32>,
        %get3A_339 = vector.shape_cast %get3A_338 : vector<1x16xi32> to vector<16xi32>
        %shift_right_arithmetic3A_340 = arith.constant 5 : i32
        %shift_right_arithmetic3A_341 = vector.broadcast %shift_right_arithmetic3A_340 : i32 to vector<16xi32>
        %shift_right_arithmetic3A_342 = arith.shrsi %get3A_339, %shift_right_arithmetic3A_341 : vector<16xi32>
        %convert_element_type3A_343 = arith.sitofp %shift_right_arithmetic3A_342 : vector<16xi32> to vector<16xf32>
        %mul3A_344 = vector.broadcast %scan3A_65 : f32 to vector<16xf32>
        %mul3A_345 = arith.mulf %convert_element_type3A_343, %mul3A_344 : vector<16xf32>
        %convert_element_type3A_346 = arith.fptosi %mul3A_345 : vector<16xf32> to vector<16xi32>
        %add3A_347 = arith.addi %convert_element_type3A_346, %convert_element_type3A_346 : vector<16xi32>
        %add3A_348 = arith.addi %add3A_347, %convert_element_type3A_346 : vector<16xi32>
        %sub3A_349 = arith.subi %shift_right_arithmetic3A_342, %add3A_348 : vector<16xi32>
        %ge3A_350 = arith.constant 3 : i32
        %ge3A_351 = vector.broadcast %ge3A_350 : i32 to vector<16xi32>
        %ge3A_352 = arith.cmpi sge, %sub3A_349, %ge3A_351 : vector<16xi32>
        %add3A_353 = arith.constant 1 : i32
        %add3A_354 = vector.broadcast %add3A_353 : i32 to vector<16xi32>
        %add3A_355 = arith.addi %convert_element_type3A_346, %add3A_354 : vector<16xi32>
        %select_n3A_356 = arith.select %ge3A_352, %add3A_355, %convert_element_type3A_346 : vector<16xi1>, vector<16xi32>
        %shift_left3A_357 = arith.constant 4 : i32
        %shift_left3A_358 = vector.broadcast %shift_left3A_357 : i32 to vector<16xi32>
        %shift_left3A_359 = arith.shli %select_n3A_356, %shift_left3A_358 : vector<16xi32>
        %add3A_360 = arith.addi %shift_left3A_359, %iota3A : vector<16xi32>
        %swap3A_361 = arith.index_cast %scan3A_245 : i32 to index
        %swap3A_362 = arith.constant 32 : index
        %swap3A_363 = tpu.vector_load %arg7[%swap3A_361, %swap3A_362] {strides = array<i32>} : memref<98x128xi32, #tpu.memory_space<vmem>>, vector<1x16xi32>,
        %swap3A_364 = vector.shape_cast %swap3A_363 : vector<1x16xi32> to vector<16xi32>
        %swap3A_365 = vector.shape_cast %add3A_360 : vector<16xi32> to vector<1x16xi32>
        tpu.vector_store %arg7[%swap3A_361, %swap3A_362], %swap3A_365 {strides = array<i32>} : memref<98x128xi32, #tpu.memory_space<vmem>>, vector<1x16xi32>,
        %get3A_366 = arith.index_cast %add3A_335 : i32 to index
        %get3A_367 = arith.constant 0 : index
        %get3A_368 = tpu.vector_load %arg6[%get3A_366, %get3A_367] {strides = array<i32>} : memref<784x16xf32, #tpu.memory_space<vmem>>, vector<1x16xf32>,
        %get3A_369 = vector.shape_cast %get3A_368 : vector<1x16xf32> to vector<16xf32>
        %swap3A_370 = arith.index_cast %scan3A_245 : i32 to index
        %swap3A_371 = arith.constant 32 : index
        %swap3A_372 = tpu.vector_load %arg8[%swap3A_370, %swap3A_371] {strides = array<i32>} : memref<98x128xf32, #tpu.memory_space<vmem>>, vector<1x16xf32>,
        %swap3A_373 = vector.shape_cast %swap3A_372 : vector<1x16xf32> to vector<16xf32>
        %swap3A_374 = vector.shape_cast %get3A_369 : vector<16xf32> to vector<1x16xf32>
        tpu.vector_store %arg8[%swap3A_370, %swap3A_371], %swap3A_374 {strides = array<i32>} : memref<98x128xf32, #tpu.memory_space<vmem>>, vector<1x16xf32>,
        %mul3A_375 = arith.constant 8 : i32
        %mul3A_376 = arith.muli %scan3A_245, %mul3A_375 : i32
        %add3A_377 = arith.constant 3 : i32
        %add3A_378 = arith.addi %mul3A_376, %add3A_377 : i32
        %get3A_379 = arith.index_cast %add3A_378 : i32 to index
        %get3A_380 = arith.constant 0 : index
        %get3A_381 = tpu.vector_load %arg5[%get3A_379, %get3A_380] {strides = array<i32>} : memref<784x16xi32, #tpu.memory_space<vmem>>, vector<1x16xi32>,
        %get3A_382 = vector.shape_cast %get3A_381 : vector<1x16xi32> to vector<16xi32>
        %shift_right_arithmetic3A_383 = arith.constant 5 : i32
        %shift_right_arithmetic3A_384 = vector.broadcast %shift_right_arithmetic3A_383 : i32 to vector<16xi32>
        %shift_right_arithmetic3A_385 = arith.shrsi %get3A_382, %shift_right_arithmetic3A_384 : vector<16xi32>
        %convert_element_type3A_386 = arith.sitofp %shift_right_arithmetic3A_385 : vector<16xi32> to vector<16xf32>
        %mul3A_387 = vector.broadcast %scan3A_65 : f32 to vector<16xf32>
        %mul3A_388 = arith.mulf %convert_element_type3A_386, %mul3A_387 : vector<16xf32>
        %convert_element_type3A_389 = arith.fptosi %mul3A_388 : vector<16xf32> to vector<16xi32>
        %add3A_390 = arith.addi %convert_element_type3A_389, %convert_element_type3A_389 : vector<16xi32>
        %add3A_391 = arith.addi %add3A_390, %convert_element_type3A_389 : vector<16xi32>
        %sub3A_392 = arith.subi %shift_right_arithmetic3A_385, %add3A_391 : vector<16xi32>
        %ge3A_393 = arith.constant 3 : i32
        %ge3A_394 = vector.broadcast %ge3A_393 : i32 to vector<16xi32>
        %ge3A_395 = arith.cmpi sge, %sub3A_392, %ge3A_394 : vector<16xi32>
        %add3A_396 = arith.constant 1 : i32
        %add3A_397 = vector.broadcast %add3A_396 : i32 to vector<16xi32>
        %add3A_398 = arith.addi %convert_element_type3A_389, %add3A_397 : vector<16xi32>
        %select_n3A_399 = arith.select %ge3A_395, %add3A_398, %convert_element_type3A_389 : vector<16xi1>, vector<16xi32>
        %shift_left3A_400 = arith.constant 4 : i32
        %shift_left3A_401 = vector.broadcast %shift_left3A_400 : i32 to vector<16xi32>
        %shift_left3A_402 = arith.shli %select_n3A_399, %shift_left3A_401 : vector<16xi32>
        %add3A_403 = arith.addi %shift_left3A_402, %iota3A : vector<16xi32>
        %swap3A_404 = arith.index_cast %scan3A_245 : i32 to index
        %swap3A_405 = arith.constant 48 : index
        %swap3A_406 = tpu.vector_load %arg7[%swap3A_404, %swap3A_405] {strides = array<i32>} : memref<98x128xi32, #tpu.memory_space<vmem>>, vector<1x16xi32>,
        %swap3A_407 = vector.shape_cast %swap3A_406 : vector<1x16xi32> to vector<16xi32>
        %swap3A_408 = vector.shape_cast %add3A_403 : vector<16xi32> to vector<1x16xi32>
        tpu.vector_store %arg7[%swap3A_404, %swap3A_405], %swap3A_408 {strides = array<i32>} : memref<98x128xi32, #tpu.memory_space<vmem>>, vector<1x16xi32>,
        %get3A_409 = arith.index_cast %add3A_378 : i32 to index
        %get3A_410 = arith.constant 0 : index
        %get3A_411 = tpu.vector_load %arg6[%get3A_409, %get3A_410] {strides = array<i32>} : memref<784x16xf32, #tpu.memory_space<vmem>>, vector<1x16xf32>,
        %get3A_412 = vector.shape_cast %get3A_411 : vector<1x16xf32> to vector<16xf32>
        %swap3A_413 = arith.index_cast %scan3A_245 : i32 to index
        %swap3A_414 = arith.constant 48 : index
        %swap3A_415 = tpu.vector_load %arg8[%swap3A_413, %swap3A_414] {strides = array<i32>} : memref<98x128xf32, #tpu.memory_space<vmem>>, vector<1x16xf32>,
        %swap3A_416 = vector.shape_cast %swap3A_415 : vector<1x16xf32> to vector<16xf32>
        %swap3A_417 = vector.shape_cast %get3A_412 : vector<16xf32> to vector<1x16xf32>
        tpu.vector_store %arg8[%swap3A_413, %swap3A_414], %swap3A_417 {strides = array<i32>} : memref<98x128xf32, #tpu.memory_space<vmem>>, vector<1x16xf32>,
        %mul3A_418 = arith.constant 8 : i32
        %mul3A_419 = arith.muli %scan3A_245, %mul3A_418 : i32
        %add3A_420 = arith.constant 4 : i32
        %add3A_421 = arith.addi %mul3A_419, %add3A_420 : i32
        %get3A_422 = arith.index_cast %add3A_421 : i32 to index
        %get3A_423 = arith.constant 0 : index
        %get3A_424 = tpu.vector_load %arg5[%get3A_422, %get3A_423] {strides = array<i32>} : memref<784x16xi32, #tpu.memory_space<vmem>>, vector<1x16xi32>,
        %get3A_425 = vector.shape_cast %get3A_424 : vector<1x16xi32> to vector<16xi32>
        %shift_right_arithmetic3A_426 = arith.constant 5 : i32
        %shift_right_arithmetic3A_427 = vector.broadcast %shift_right_arithmetic3A_426 : i32 to vector<16xi32>
        %shift_right_arithmetic3A_428 = arith.shrsi %get3A_425, %shift_right_arithmetic3A_427 : vector<16xi32>
        %convert_element_type3A_429 = arith.sitofp %shift_right_arithmetic3A_428 : vector<16xi32> to vector<16xf32>
        %mul3A_430 = vector.broadcast %scan3A_65 : f32 to vector<16xf32>
        %mul3A_431 = arith.mulf %convert_element_type3A_429, %mul3A_430 : vector<16xf32>
        %convert_element_type3A_432 = arith.fptosi %mul3A_431 : vector<16xf32> to vector<16xi32>
        %add3A_433 = arith.addi %convert_element_type3A_432, %convert_element_type3A_432 : vector<16xi32>
        %add3A_434 = arith.addi %add3A_433, %convert_element_type3A_432 : vector<16xi32>
        %sub3A_435 = arith.subi %shift_right_arithmetic3A_428, %add3A_434 : vector<16xi32>
        %ge3A_436 = arith.constant 3 : i32
        %ge3A_437 = vector.broadcast %ge3A_436 : i32 to vector<16xi32>
        %ge3A_438 = arith.cmpi sge, %sub3A_435, %ge3A_437 : vector<16xi32>
        %add3A_439 = arith.constant 1 : i32
        %add3A_440 = vector.broadcast %add3A_439 : i32 to vector<16xi32>
        %add3A_441 = arith.addi %convert_element_type3A_432, %add3A_440 : vector<16xi32>
        %select_n3A_442 = arith.select %ge3A_438, %add3A_441, %convert_element_type3A_432 : vector<16xi1>, vector<16xi32>
        %shift_left3A_443 = arith.constant 4 : i32
        %shift_left3A_444 = vector.broadcast %shift_left3A_443 : i32 to vector<16xi32>
        %shift_left3A_445 = arith.shli %select_n3A_442, %shift_left3A_444 : vector<16xi32>
        %add3A_446 = arith.addi %shift_left3A_445, %iota3A : vector<16xi32>
        %swap3A_447 = arith.index_cast %scan3A_245 : i32 to index
        %swap3A_448 = arith.constant 64 : index
        %swap3A_449 = tpu.vector_load %arg7[%swap3A_447, %swap3A_448] {strides = array<i32>} : memref<98x128xi32, #tpu.memory_space<vmem>>, vector<1x16xi32>,
        %swap3A_450 = vector.shape_cast %swap3A_449 : vector<1x16xi32> to vector<16xi32>
        %swap3A_451 = vector.shape_cast %add3A_446 : vector<16xi32> to vector<1x16xi32>
        tpu.vector_store %arg7[%swap3A_447, %swap3A_448], %swap3A_451 {strides = array<i32>} : memref<98x128xi32, #tpu.memory_space<vmem>>, vector<1x16xi32>,
        %get3A_452 = arith.index_cast %add3A_421 : i32 to index
        %get3A_453 = arith.constant 0 : index
        %get3A_454 = tpu.vector_load %arg6[%get3A_452, %get3A_453] {strides = array<i32>} : memref<784x16xf32, #tpu.memory_space<vmem>>, vector<1x16xf32>,
        %get3A_455 = vector.shape_cast %get3A_454 : vector<1x16xf32> to vector<16xf32>
        %swap3A_456 = arith.index_cast %scan3A_245 : i32 to index
        %swap3A_457 = arith.constant 64 : index
        %swap3A_458 = tpu.vector_load %arg8[%swap3A_456, %swap3A_457] {strides = array<i32>} : memref<98x128xf32, #tpu.memory_space<vmem>>, vector<1x16xf32>,
        %swap3A_459 = vector.shape_cast %swap3A_458 : vector<1x16xf32> to vector<16xf32>
        %swap3A_460 = vector.shape_cast %get3A_455 : vector<16xf32> to vector<1x16xf32>
        tpu.vector_store %arg8[%swap3A_456, %swap3A_457], %swap3A_460 {strides = array<i32>} : memref<98x128xf32, #tpu.memory_space<vmem>>, vector<1x16xf32>,
        %mul3A_461 = arith.constant 8 : i32
        %mul3A_462 = arith.muli %scan3A_245, %mul3A_461 : i32
        %add3A_463 = arith.constant 5 : i32
        %add3A_464 = arith.addi %mul3A_462, %add3A_463 : i32
        %get3A_465 = arith.index_cast %add3A_464 : i32 to index
        %get3A_466 = arith.constant 0 : index
        %get3A_467 = tpu.vector_load %arg5[%get3A_465, %get3A_466] {strides = array<i32>} : memref<784x16xi32, #tpu.memory_space<vmem>>, vector<1x16xi32>,
        %get3A_468 = vector.shape_cast %get3A_467 : vector<1x16xi32> to vector<16xi32>
        %shift_right_arithmetic3A_469 = arith.constant 5 : i32
        %shift_right_arithmetic3A_470 = vector.broadcast %shift_right_arithmetic3A_469 : i32 to vector<16xi32>
        %shift_right_arithmetic3A_471 = arith.shrsi %get3A_468, %shift_right_arithmetic3A_470 : vector<16xi32>
        %convert_element_type3A_472 = arith.sitofp %shift_right_arithmetic3A_471 : vector<16xi32> to vector<16xf32>
        %mul3A_473 = vector.broadcast %scan3A_65 : f32 to vector<16xf32>
        %mul3A_474 = arith.mulf %convert_element_type3A_472, %mul3A_473 : vector<16xf32>
        %convert_element_type3A_475 = arith.fptosi %mul3A_474 : vector<16xf32> to vector<16xi32>
        %add3A_476 = arith.addi %convert_element_type3A_475, %convert_element_type3A_475 : vector<16xi32>
        %add3A_477 = arith.addi %add3A_476, %convert_element_type3A_475 : vector<16xi32>
        %sub3A_478 = arith.subi %shift_right_arithmetic3A_471, %add3A_477 : vector<16xi32>
        %ge3A_479 = arith.constant 3 : i32
        %ge3A_480 = vector.broadcast %ge3A_479 : i32 to vector<16xi32>
        %ge3A_481 = arith.cmpi sge, %sub3A_478, %ge3A_480 : vector<16xi32>
        %add3A_482 = arith.constant 1 : i32
        %add3A_483 = vector.broadcast %add3A_482 : i32 to vector<16xi32>
        %add3A_484 = arith.addi %convert_element_type3A_475, %add3A_483 : vector<16xi32>
        %select_n3A_485 = arith.select %ge3A_481, %add3A_484, %convert_element_type3A_475 : vector<16xi1>, vector<16xi32>
        %shift_left3A_486 = arith.constant 4 : i32
        %shift_left3A_487 = vector.broadcast %shift_left3A_486 : i32 to vector<16xi32>
        %shift_left3A_488 = arith.shli %select_n3A_485, %shift_left3A_487 : vector<16xi32>
        %add3A_489 = arith.addi %shift_left3A_488, %iota3A : vector<16xi32>
        %swap3A_490 = arith.index_cast %scan3A_245 : i32 to index
        %swap3A_491 = arith.constant 80 : index
        %swap3A_492 = tpu.vector_load %arg7[%swap3A_490, %swap3A_491] {strides = array<i32>} : memref<98x128xi32, #tpu.memory_space<vmem>>, vector<1x16xi32>,
        %swap3A_493 = vector.shape_cast %swap3A_492 : vector<1x16xi32> to vector<16xi32>
        %swap3A_494 = vector.shape_cast %add3A_489 : vector<16xi32> to vector<1x16xi32>
        tpu.vector_store %arg7[%swap3A_490, %swap3A_491], %swap3A_494 {strides = array<i32>} : memref<98x128xi32, #tpu.memory_space<vmem>>, vector<1x16xi32>,
        %get3A_495 = arith.index_cast %add3A_464 : i32 to index
        %get3A_496 = arith.constant 0 : index
        %get3A_497 = tpu.vector_load %arg6[%get3A_495, %get3A_496] {strides = array<i32>} : memref<784x16xf32, #tpu.memory_space<vmem>>, vector<1x16xf32>,
        %get3A_498 = vector.shape_cast %get3A_497 : vector<1x16xf32> to vector<16xf32>
        %swap3A_499 = arith.index_cast %scan3A_245 : i32 to index
        %swap3A_500 = arith.constant 80 : index
        %swap3A_501 = tpu.vector_load %arg8[%swap3A_499, %swap3A_500] {strides = array<i32>} : memref<98x128xf32, #tpu.memory_space<vmem>>, vector<1x16xf32>,
        %swap3A_502 = vector.shape_cast %swap3A_501 : vector<1x16xf32> to vector<16xf32>
        %swap3A_503 = vector.shape_cast %get3A_498 : vector<16xf32> to vector<1x16xf32>
        tpu.vector_store %arg8[%swap3A_499, %swap3A_500], %swap3A_503 {strides = array<i32>} : memref<98x128xf32, #tpu.memory_space<vmem>>, vector<1x16xf32>,
        %mul3A_504 = arith.constant 8 : i32
        %mul3A_505 = arith.muli %scan3A_245, %mul3A_504 : i32
        %add3A_506 = arith.constant 6 : i32
        %add3A_507 = arith.addi %mul3A_505, %add3A_506 : i32
        %get3A_508 = arith.index_cast %add3A_507 : i32 to index
        %get3A_509 = arith.constant 0 : index
        %get3A_510 = tpu.vector_load %arg5[%get3A_508, %get3A_509] {strides = array<i32>} : memref<784x16xi32, #tpu.memory_space<vmem>>, vector<1x16xi32>,
        %get3A_511 = vector.shape_cast %get3A_510 : vector<1x16xi32> to vector<16xi32>
        %shift_right_arithmetic3A_512 = arith.constant 5 : i32
        %shift_right_arithmetic3A_513 = vector.broadcast %shift_right_arithmetic3A_512 : i32 to vector<16xi32>
        %shift_right_arithmetic3A_514 = arith.shrsi %get3A_511, %shift_right_arithmetic3A_513 : vector<16xi32>
        %convert_element_type3A_515 = arith.sitofp %shift_right_arithmetic3A_514 : vector<16xi32> to vector<16xf32>
        %mul3A_516 = vector.broadcast %scan3A_65 : f32 to vector<16xf32>
        %mul3A_517 = arith.mulf %convert_element_type3A_515, %mul3A_516 : vector<16xf32>
        %convert_element_type3A_518 = arith.fptosi %mul3A_517 : vector<16xf32> to vector<16xi32>
        %add3A_519 = arith.addi %convert_element_type3A_518, %convert_element_type3A_518 : vector<16xi32>
        %add3A_520 = arith.addi %add3A_519, %convert_element_type3A_518 : vector<16xi32>
        %sub3A_521 = arith.subi %shift_right_arithmetic3A_514, %add3A_520 : vector<16xi32>
        %ge3A_522 = arith.constant 3 : i32
        %ge3A_523 = vector.broadcast %ge3A_522 : i32 to vector<16xi32>
        %ge3A_524 = arith.cmpi sge, %sub3A_521, %ge3A_523 : vector<16xi32>
        %add3A_525 = arith.constant 1 : i32
        %add3A_526 = vector.broadcast %add3A_525 : i32 to vector<16xi32>
        %add3A_527 = arith.addi %convert_element_type3A_518, %add3A_526 : vector<16xi32>
        %select_n3A_528 = arith.select %ge3A_524, %add3A_527, %convert_element_type3A_518 : vector<16xi1>, vector<16xi32>
        %shift_left3A_529 = arith.constant 4 : i32
        %shift_left3A_530 = vector.broadcast %shift_left3A_529 : i32 to vector<16xi32>
        %shift_left3A_531 = arith.shli %select_n3A_528, %shift_left3A_530 : vector<16xi32>
        %add3A_532 = arith.addi %shift_left3A_531, %iota3A : vector<16xi32>
        %swap3A_533 = arith.index_cast %scan3A_245 : i32 to index
        %swap3A_534 = arith.constant 96 : index
        %swap3A_535 = tpu.vector_load %arg7[%swap3A_533, %swap3A_534] {strides = array<i32>} : memref<98x128xi32, #tpu.memory_space<vmem>>, vector<1x16xi32>,
        %swap3A_536 = vector.shape_cast %swap3A_535 : vector<1x16xi32> to vector<16xi32>
        %swap3A_537 = vector.shape_cast %add3A_532 : vector<16xi32> to vector<1x16xi32>
        tpu.vector_store %arg7[%swap3A_533, %swap3A_534], %swap3A_537 {strides = array<i32>} : memref<98x128xi32, #tpu.memory_space<vmem>>, vector<1x16xi32>,
        %get3A_538 = arith.index_cast %add3A_507 : i32 to index
        %get3A_539 = arith.constant 0 : index
        %get3A_540 = tpu.vector_load %arg6[%get3A_538, %get3A_539] {strides = array<i32>} : memref<784x16xf32, #tpu.memory_space<vmem>>, vector<1x16xf32>,
        %get3A_541 = vector.shape_cast %get3A_540 : vector<1x16xf32> to vector<16xf32>
        %swap3A_542 = arith.index_cast %scan3A_245 : i32 to index
        %swap3A_543 = arith.constant 96 : index
        %swap3A_544 = tpu.vector_load %arg8[%swap3A_542, %swap3A_543] {strides = array<i32>} : memref<98x128xf32, #tpu.memory_space<vmem>>, vector<1x16xf32>,
        %swap3A_545 = vector.shape_cast %swap3A_544 : vector<1x16xf32> to vector<16xf32>
        %swap3A_546 = vector.shape_cast %get3A_541 : vector<16xf32> to vector<1x16xf32>
        tpu.vector_store %arg8[%swap3A_542, %swap3A_543], %swap3A_546 {strides = array<i32>} : memref<98x128xf32, #tpu.memory_space<vmem>>, vector<1x16xf32>,
        %mul3A_547 = arith.constant 8 : i32
        %mul3A_548 = arith.muli %scan3A_245, %mul3A_547 : i32
        %add3A_549 = arith.constant 7 : i32
        %add3A_550 = arith.addi %mul3A_548, %add3A_549 : i32
        %get3A_551 = arith.index_cast %add3A_550 : i32 to index
        %get3A_552 = arith.constant 0 : index
        %get3A_553 = tpu.vector_load %arg5[%get3A_551, %get3A_552] {strides = array<i32>} : memref<784x16xi32, #tpu.memory_space<vmem>>, vector<1x16xi32>,
        %get3A_554 = vector.shape_cast %get3A_553 : vector<1x16xi32> to vector<16xi32>
        %shift_right_arithmetic3A_555 = arith.constant 5 : i32
        %shift_right_arithmetic3A_556 = vector.broadcast %shift_right_arithmetic3A_555 : i32 to vector<16xi32>
        %shift_right_arithmetic3A_557 = arith.shrsi %get3A_554, %shift_right_arithmetic3A_556 : vector<16xi32>
        %convert_element_type3A_558 = arith.sitofp %shift_right_arithmetic3A_557 : vector<16xi32> to vector<16xf32>
        %mul3A_559 = vector.broadcast %scan3A_65 : f32 to vector<16xf32>
        %mul3A_560 = arith.mulf %convert_element_type3A_558, %mul3A_559 : vector<16xf32>
        %convert_element_type3A_561 = arith.fptosi %mul3A_560 : vector<16xf32> to vector<16xi32>
        %add3A_562 = arith.addi %convert_element_type3A_561, %convert_element_type3A_561 : vector<16xi32>
        %add3A_563 = arith.addi %add3A_562, %convert_element_type3A_561 : vector<16xi32>
        %sub3A_564 = arith.subi %shift_right_arithmetic3A_557, %add3A_563 : vector<16xi32>
        %ge3A_565 = arith.constant 3 : i32
        %ge3A_566 = vector.broadcast %ge3A_565 : i32 to vector<16xi32>
        %ge3A_567 = arith.cmpi sge, %sub3A_564, %ge3A_566 : vector<16xi32>
        %add3A_568 = arith.constant 1 : i32
        %add3A_569 = vector.broadcast %add3A_568 : i32 to vector<16xi32>
        %add3A_570 = arith.addi %convert_element_type3A_561, %add3A_569 : vector<16xi32>
        %select_n3A_571 = arith.select %ge3A_567, %add3A_570, %convert_element_type3A_561 : vector<16xi1>, vector<16xi32>
        %shift_left3A_572 = arith.constant 4 : i32
        %shift_left3A_573 = vector.broadcast %shift_left3A_572 : i32 to vector<16xi32>
        %shift_left3A_574 = arith.shli %select_n3A_571, %shift_left3A_573 : vector<16xi32>
        %add3A_575 = arith.addi %shift_left3A_574, %iota3A : vector<16xi32>
        %swap3A_576 = arith.index_cast %scan3A_245 : i32 to index
        %swap3A_577 = arith.constant 112 : index
        %swap3A_578 = tpu.vector_load %arg7[%swap3A_576, %swap3A_577] {strides = array<i32>} : memref<98x128xi32, #tpu.memory_space<vmem>>, vector<1x16xi32>,
        %swap3A_579 = vector.shape_cast %swap3A_578 : vector<1x16xi32> to vector<16xi32>
        %swap3A_580 = vector.shape_cast %add3A_575 : vector<16xi32> to vector<1x16xi32>
        tpu.vector_store %arg7[%swap3A_576, %swap3A_577], %swap3A_580 {strides = array<i32>} : memref<98x128xi32, #tpu.memory_space<vmem>>, vector<1x16xi32>,
        %get3A_581 = arith.index_cast %add3A_550 : i32 to index
        %get3A_582 = arith.constant 0 : index
        %get3A_583 = tpu.vector_load %arg6[%get3A_581, %get3A_582] {strides = array<i32>} : memref<784x16xf32, #tpu.memory_space<vmem>>, vector<1x16xf32>,
        %get3A_584 = vector.shape_cast %get3A_583 : vector<1x16xf32> to vector<16xf32>
        %swap3A_585 = arith.index_cast %scan3A_245 : i32 to index
        %swap3A_586 = arith.constant 112 : index
        %swap3A_587 = tpu.vector_load %arg8[%swap3A_585, %swap3A_586] {strides = array<i32>} : memref<98x128xf32, #tpu.memory_space<vmem>>, vector<1x16xf32>,
        %swap3A_588 = vector.shape_cast %swap3A_587 : vector<1x16xf32> to vector<16xf32>
        %swap3A_589 = vector.shape_cast %get3A_584 : vector<16xf32> to vector<1x16xf32>
        tpu.vector_store %arg8[%swap3A_585, %swap3A_586], %swap3A_589 {strides = array<i32>} : memref<98x128xf32, #tpu.memory_space<vmem>>, vector<1x16xf32>,
        %dma_start3A_590 = arith.constant 0 : i32
        %dma_start3A_591 = tpu.memref_slice %arg8[%scan3A_245, %dma_start3A_590] : memref<98x128xf32, #tpu.memory_space<vmem>> -> memref<1x128xf32, #tpu.memory_space<vmem>>
        %dma_start3A_592 = tpu.memref_squeeze %dma_start3A_591 : memref<1x128xf32, #tpu.memory_space<vmem>> -> memref<128xf32, #tpu.memory_space<vmem>>
        %dma_start3A_593 = arith.constant 0 : i32
        %dma_start3A_594 = tpu.memref_slice %arg7[%scan3A_245, %dma_start3A_593] : memref<98x128xi32, #tpu.memory_space<vmem>> -> memref<1x128xi32, #tpu.memory_space<vmem>>
        %dma_start3A_595 = tpu.memref_squeeze %dma_start3A_594 : memref<1x128xi32, #tpu.memory_space<vmem>> -> memref<128xi32, #tpu.memory_space<vmem>>
        %dma_start3A_596 = arith.constant 0 : i32
        %dma_start3A_597 = tpu.memref_slice %arg12[%dma_start3A_596] : memref<802816xf32, #tpu.memory_space<vmem_shared>> -> memref<802816xf32, #tpu.memory_space<vmem_shared>>
        tpu.enqueue_indirect_dma source(%dma_start3A_592 : memref<128xf32, #tpu.memory_space<vmem>>) target(%dma_start3A_597 : memref<802816xf32, #tpu.memory_space<vmem_shared>>) offsets(%dma_start3A_595 : memref<128xi32, #tpu.memory_space<vmem>>) semaphore(%arg13 : memref<!tpu.dma_semaphore, #tpu.memory_space<semaphore_mem>>) {add = true}
      }
      %scan3A_178 = arith.constant 98 : i32
      %scan3A_179 = arith.constant 0 : i32
      %scan3A_180 = arith.constant 0 : i32
      %scan3A_181 = arith.constant 8 : i32
      %scan3A_182 = arith.addi %scan3A_180, %scan3A_181 : i32
      %scan3A_183 = arith.constant 1 : i32
      scf.for %scan3A_245 = %scan3A_180 to %scan3A_182 step %scan3A_183  : i32 {
        %add3A_246 = arith.constant 90 : i32
        %add3A_247 = arith.addi %add3A_246, %scan3A_245 : i32
        %dma_wait3A_248 = arith.constant 0 : i32
        %dma_wait3A_249 = tpu.memref_slice %arg8[%add3A_247, %dma_wait3A_248] : memref<98x128xf32, #tpu.memory_space<vmem>> -> memref<1x128xf32, #tpu.memory_space<vmem>>
        %dma_wait3A_250 = tpu.memref_squeeze %dma_wait3A_249 : memref<1x128xf32, #tpu.memory_space<vmem>> -> memref<128xf32, #tpu.memory_space<vmem>>
        %dma_wait3A_251 = arith.constant 0 : i32
        %dma_wait3A_252 = tpu.memref_slice %arg7[%add3A_247, %dma_wait3A_251] : memref<98x128xi32, #tpu.memory_space<vmem>> -> memref<1x128xi32, #tpu.memory_space<vmem>>
        %dma_wait3A_253 = tpu.memref_squeeze %dma_wait3A_252 : memref<1x128xi32, #tpu.memory_space<vmem>> -> memref<128xi32, #tpu.memory_space<vmem>>
        %dma_wait3A_254 = arith.constant 0 : i32
        %dma_wait3A_255 = tpu.memref_slice %arg12[%dma_wait3A_254] : memref<802816xf32, #tpu.memory_space<vmem_shared>> -> memref<802816xf32, #tpu.memory_space<vmem_shared>>
        tpu.wait_indirect_dma semaphore(%arg13 : memref<!tpu.dma_semaphore, #tpu.memory_space<semaphore_mem>>) src(%dma_wait3A_250 : memref<128xf32, #tpu.memory_space<vmem>>) dst(%dma_wait3A_255 : memref<802816xf32, #tpu.memory_space<vmem_shared>>)
      }
      %scan3A_184 = arith.constant 8 : i32
      %add3A_185 = arith.constant 1 : i32
      %add3A_186 = arith.addi %scan3A_71, %add3A_185 : i32
      %lt3A_187 = arith.constant 24 : i32
      %lt3A_188 = arith.cmpi slt, %add3A_186, %lt3A_187 : i32
      %convert_element_type3A = arith.extui %lt3A_188 : i1 to i32
      %cond3A = arith.constant 0 : i32
      %cond3A_189 = arith.cmpi ne, %convert_element_type3A, %cond3A : i32
      scf.if %cond3A_189 {
        %add3A_245 = arith.constant 1 : i32
        %add3A_246 = arith.addi %scan3A_71, %add3A_245 : i32
        %mul3A_247 = arith.constant 2 : i32
        %mul3A_248 = arith.muli %add3A_246, %mul3A_247 : i32
        %add3A_249 = arith.addi %mul3A_248, %arg0 : i32
        %jit3A_250 = arith.constant 6 : i32
        %div3A_251 = arith.divsi %add3A_249, %jit3A_250 : i32
        %sign3A_252 = arith.constant 0 : i32
        %sign3A_253 = arith.cmpi sgt, %add3A_249, %sign3A_252 : i32
        %sign3A_254 = arith.extui %sign3A_253 : i1 to i32
        %sign3A_255 = arith.constant 0 : i32
        %sign3A_256 = arith.cmpi slt, %add3A_249, %sign3A_255 : i32
        %sign3A_257 = arith.extui %sign3A_256 : i1 to i32
        %sign3A_258 = arith.subi %sign3A_254, %sign3A_257 : i32
        %sign3A_259 = arith.constant 0 : i32
        %sign3A_260 = arith.cmpi sgt, %jit3A_250, %sign3A_259 : i32
        %sign3A_261 = arith.extui %sign3A_260 : i1 to i32
        %sign3A_262 = arith.constant 0 : i32
        %sign3A_263 = arith.cmpi slt, %jit3A_250, %sign3A_262 : i32
        %sign3A_264 = arith.extui %sign3A_263 : i1 to i32
        %sign3A_265 = arith.subi %sign3A_261, %sign3A_264 : i32
        %ne3A_266 = arith.cmpi ne, %sign3A_258, %sign3A_265 : i32
        %rem3A_267 = arith.remsi %add3A_249, %jit3A_250 : i32
        %ne3A_268 = arith.constant 0 : i32
        %ne3A_269 = arith.cmpi ne, %rem3A_267, %ne3A_268 : i32
        %and3A_270 = arith.andi %ne3A_266, %ne3A_269 : i1
        %sub3A_271 = arith.constant 1 : i32
        %sub3A_272 = arith.subi %div3A_251, %sub3A_271 : i32
        %select_n3A_273 = arith.select %and3A_270, %sub3A_272, %div3A_251 : i32
        %jit3A_274 = arith.constant 6 : i32
        %eq3A_275 = arith.constant 0 : i32
        %eq3A_276 = arith.cmpi eq, %jit3A_274, %eq3A_275 : i32
        %jit3A_277 = arith.constant 1 : i32
        %select_n3A_278 = arith.select %eq3A_276, %jit3A_277, %jit3A_274 : i32
        %rem3A_279 = arith.remsi %add3A_249, %select_n3A_278 : i32
        %ne3A_280 = arith.constant 0 : i32
        %ne3A_281 = arith.cmpi ne, %rem3A_279, %ne3A_280 : i32
        %lt3A_282 = arith.constant 0 : i32
        %lt3A_283 = arith.cmpi slt, %rem3A_279, %lt3A_282 : i32
        %lt3A_284 = arith.constant 0 : i32
        %lt3A_285 = arith.cmpi slt, %select_n3A_278, %lt3A_284 : i32
        %ne3A_286 = arith.xori %lt3A_283, %lt3A_285 : i1
        %and3A_287 = arith.andi %ne3A_286, %ne3A_281 : i1
        %add3A_288 = arith.addi %rem3A_279, %select_n3A_278 : i32
        %select_n3A_289 = arith.select %and3A_287, %add3A_288, %rem3A_279 : i32
        %mul3A_290 = arith.constant 16 : i32
        %mul3A_291 = arith.muli %select_n3A_289, %mul3A_290 : i32
        %mul3A_292 = arith.constant 784 : i32
        %mul3A_293 = arith.muli %arg1, %mul3A_292 : i32
        %mul3A_294 = arith.constant 784 : i32
        %mul3A_295 = arith.muli %arg1, %mul3A_294 : i32
        %dma_start3A_296 = tpu.memref_slice %arg3[%select_n3A_273, %mul3A_293, %mul3A_291] : memref<8x12544x96xi32, #tpu.memory_space<hbm>> -> memref<1x784x16xi32, #tpu.memory_space<hbm>>
        %dma_start3A_297 = tpu.memref_squeeze %dma_start3A_296 : memref<1x784x16xi32, #tpu.memory_space<hbm>> -> memref<784x16xi32, #tpu.memory_space<hbm>>
        %dma_start3A_298 = tpu.memref_slice %arg3[%select_n3A_273, %mul3A_293, %mul3A_291] : memref<8x12544x96xi32, #tpu.memory_space<hbm>> -> memref<1x784x16xi32, #tpu.memory_space<hbm>>
        %dma_start3A_299 = tpu.memref_squeeze %dma_start3A_298 : memref<1x784x16xi32, #tpu.memory_space<hbm>> -> memref<784x16xi32, #tpu.memory_space<hbm>>
        tpu.enqueue_dma source(%dma_start3A_299 : memref<784x16xi32, #tpu.memory_space<hbm>>) target(%arg5 : memref<784x16xi32, #tpu.memory_space<vmem>>) target_semaphore(%arg14 : memref<!tpu.dma_semaphore, #tpu.memory_space<semaphore_mem>>)
        %dma_start3A_300 = tpu.memref_slice %arg2[%select_n3A_273, %mul3A_295, %mul3A_291] : memref<8x12544x96xf32, #tpu.memory_space<hbm>> -> memref<1x784x16xf32, #tpu.memory_space<hbm>>
        %dma_start3A_301 = tpu.memref_squeeze %dma_start3A_300 : memref<1x784x16xf32, #tpu.memory_space<hbm>> -> memref<784x16xf32, #tpu.memory_space<hbm>>
        %dma_start3A_302 = tpu.memref_slice %arg2[%select_n3A_273, %mul3A_295, %mul3A_291] : memref<8x12544x96xf32, #tpu.memory_space<hbm>> -> memref<1x784x16xf32, #tpu.memory_space<hbm>>
        %dma_start3A_303 = tpu.memref_squeeze %dma_start3A_302 : memref<1x784x16xf32, #tpu.memory_space<hbm>> -> memref<784x16xf32, #tpu.memory_space<hbm>>
        tpu.enqueue_dma source(%dma_start3A_303 : memref<784x16xf32, #tpu.memory_space<hbm>>) target(%arg6 : memref<784x16xf32, #tpu.memory_space<vmem>>) target_semaphore(%arg14 : memref<!tpu.dma_semaphore, #tpu.memory_space<semaphore_mem>>)
      } else {
      }
      %barrier3A_190 = arith.constant 0 : index
      tpu.barrier barrier_id(%barrier3A_190)
      %add3A_191 = arith.constant 0 : i32
      %add3A_192 = arith.addi %mul3A_0, %add3A_191 : i32
      %dma_start3A_193 = arith.constant 0 : i32
      %dma_start3A_194 = arith.constant 0 : i32
      %dma_start3A_195 = tpu.memref_slice %arg9[%dma_start3A_193, %dma_start3A_194] : memref<2x3136xf32, #tpu.memory_space<vmem>> -> memref<1x3136xf32, #tpu.memory_space<vmem>>
      %dma_start3A_196 = tpu.memref_squeeze %dma_start3A_195 : memref<1x3136xf32, #tpu.memory_space<vmem>> -> memref<3136xf32, #tpu.memory_space<vmem>>
      %dma_start3A_197 = tpu.memref_slice %arg12[%add3A_192] : memref<802816xf32, #tpu.memory_space<vmem_shared>> -> memref<3136xf32, #tpu.memory_space<vmem_shared>>
      %dma_start3A_198 = arith.constant 0 : i32
      %dma_start3A_199 = tpu.memref_slice %arg9[%dma_start3A_193, %dma_start3A_198] : memref<2x3136xf32, #tpu.memory_space<vmem>> -> memref<1x3136xf32, #tpu.memory_space<vmem>>
      %dma_start3A_200 = tpu.memref_squeeze %dma_start3A_199 : memref<1x3136xf32, #tpu.memory_space<vmem>> -> memref<3136xf32, #tpu.memory_space<vmem>>
      %dma_start3A_201 = tpu.memref_slice %arg12[%add3A_192] : memref<802816xf32, #tpu.memory_space<vmem_shared>> -> memref<3136xf32, #tpu.memory_space<vmem_shared>>
      tpu.enqueue_dma source(%dma_start3A_201 : memref<3136xf32, #tpu.memory_space<vmem_shared>>) target(%dma_start3A_200 : memref<3136xf32, #tpu.memory_space<vmem>>) target_semaphore(%arg15 : memref<!tpu.dma_semaphore, #tpu.memory_space<semaphore_mem>>)
      %scan3A_202 = arith.constant 0 : i32
      %scan3A_203 = arith.constant 0 : i32
      %scan3A_204 = arith.constant 16 : i32
      %scan3A_205 = arith.addi %scan3A_203, %scan3A_204 : i32
      %scan3A_206 = arith.constant 1 : i32
      scf.for %scan3A_245 = %scan3A_203 to %scan3A_205 step %scan3A_206  : i32 {
        %and3A_246 = arith.constant 1 : i32
        %and3A_247 = arith.andi %scan3A_245, %and3A_246 : i32
        %add3A_248 = arith.constant 1 : i32
        %add3A_249 = arith.addi %scan3A_245, %add3A_248 : i32
        %lt3A_250 = arith.constant 16 : i32
        %lt3A_251 = arith.cmpi slt, %add3A_249, %lt3A_250 : i32
        %convert_element_type3A_252 = arith.extui %lt3A_251 : i1 to i32
        %cond3A_253 = arith.constant 0 : i32
        %cond3A_254 = arith.cmpi ne, %convert_element_type3A_252, %cond3A_253 : i32
        scf.if %cond3A_254 {
          %add3A_296 = arith.constant 1 : i32
          %add3A_297 = arith.addi %scan3A_245, %add3A_296 : i32
          %sub3A_298 = arith.constant 1 : i32
          %sub3A_299 = arith.subi %sub3A_298, %and3A_247 : i32
          %mul3A_300 = arith.constant 3136 : i32
          %mul3A_301 = arith.muli %add3A_297, %mul3A_300 : i32
          %add3A_302 = arith.addi %mul3A_0, %mul3A_301 : i32
          %dma_start3A_303 = arith.constant 0 : i32
          %dma_start3A_304 = tpu.memref_slice %arg9[%sub3A_299, %dma_start3A_303] : memref<2x3136xf32, #tpu.memory_space<vmem>> -> memref<1x3136xf32, #tpu.memory_space<vmem>>
          %dma_start3A_305 = tpu.memref_squeeze %dma_start3A_304 : memref<1x3136xf32, #tpu.memory_space<vmem>> -> memref<3136xf32, #tpu.memory_space<vmem>>
          %dma_start3A_306 = tpu.memref_slice %arg12[%add3A_302] : memref<802816xf32, #tpu.memory_space<vmem_shared>> -> memref<3136xf32, #tpu.memory_space<vmem_shared>>
          %dma_start3A_307 = arith.constant 0 : i32
          %dma_start3A_308 = tpu.memref_slice %arg9[%sub3A_299, %dma_start3A_307] : memref<2x3136xf32, #tpu.memory_space<vmem>> -> memref<1x3136xf32, #tpu.memory_space<vmem>>
          %dma_start3A_309 = tpu.memref_squeeze %dma_start3A_308 : memref<1x3136xf32, #tpu.memory_space<vmem>> -> memref<3136xf32, #tpu.memory_space<vmem>>
          %dma_start3A_310 = tpu.memref_slice %arg12[%add3A_302] : memref<802816xf32, #tpu.memory_space<vmem_shared>> -> memref<3136xf32, #tpu.memory_space<vmem_shared>>
          tpu.enqueue_dma source(%dma_start3A_310 : memref<3136xf32, #tpu.memory_space<vmem_shared>>) target(%dma_start3A_309 : memref<3136xf32, #tpu.memory_space<vmem>>) target_semaphore(%arg15 : memref<!tpu.dma_semaphore, #tpu.memory_space<semaphore_mem>>)
        } else {
        }
        %mul3A_255 = arith.constant 3136 : i32
        %mul3A_256 = arith.muli %scan3A_245, %mul3A_255 : i32
        %add3A_257 = arith.addi %mul3A_0, %mul3A_256 : i32
        %dma_wait3A_258 = arith.constant 0 : i32
        %dma_wait3A_259 = tpu.memref_slice %arg9[%and3A_247, %dma_wait3A_258] : memref<2x3136xf32, #tpu.memory_space<vmem>> -> memref<1x3136xf32, #tpu.memory_space<vmem>>
        %dma_wait3A_260 = tpu.memref_squeeze %dma_wait3A_259 : memref<1x3136xf32, #tpu.memory_space<vmem>> -> memref<3136xf32, #tpu.memory_space<vmem>>
        %dma_wait3A_261 = tpu.memref_slice %arg12[%add3A_257] : memref<802816xf32, #tpu.memory_space<vmem_shared>> -> memref<3136xf32, #tpu.memory_space<vmem_shared>>
        %dma_wait3A_262 = arith.constant 0 : i32
        %dma_wait3A_263 = tpu.memref_slice %arg9[%and3A_247, %dma_wait3A_262] : memref<2x3136xf32, #tpu.memory_space<vmem>> -> memref<1x3136xf32, #tpu.memory_space<vmem>>
        %dma_wait3A_264 = tpu.memref_squeeze %dma_wait3A_263 : memref<1x3136xf32, #tpu.memory_space<vmem>> -> memref<3136xf32, #tpu.memory_space<vmem>>
        %dma_wait3A_265 = tpu.memref_slice %arg12[%add3A_257] : memref<802816xf32, #tpu.memory_space<vmem_shared>> -> memref<3136xf32, #tpu.memory_space<vmem_shared>>
        tpu.wait_dma2 semaphore(%arg15 : memref<!tpu.dma_semaphore, #tpu.memory_space<semaphore_mem>>) src(%dma_wait3A_265 : memref<3136xf32, #tpu.memory_space<vmem_shared>>) dst(%dma_wait3A_264 : memref<3136xf32, #tpu.memory_space<vmem>>)
        %mul3A_266 = arith.constant 3136 : i32
        %mul3A_267 = arith.muli %scan3A_245, %mul3A_266 : i32
        %add3A_268 = arith.addi %mul3A_0, %mul3A_267 : i32
        %dma_start3A_269 = tpu.memref_slice %arg12[%add3A_268] : memref<802816xf32, #tpu.memory_space<vmem_shared>> -> memref<3136xf32, #tpu.memory_space<vmem_shared>>
        %dma_start3A_270 = tpu.memref_slice %arg12[%add3A_268] : memref<802816xf32, #tpu.memory_space<vmem_shared>> -> memref<3136xf32, #tpu.memory_space<vmem_shared>>
        tpu.enqueue_dma source(%arg11 : memref<3136xf32, #tpu.memory_space<vmem>>) target(%dma_start3A_270 : memref<3136xf32, #tpu.memory_space<vmem_shared>>) target_semaphore(%arg17 : memref<!tpu.dma_semaphore, #tpu.memory_space<semaphore_mem>>)
        %ge3A = arith.constant 2 : i32
        %ge3A_271 = arith.cmpi sge, %scan3A_245, %ge3A : i32
        %convert_element_type3A_272 = arith.extui %ge3A_271 : i1 to i32
        %cond3A_273 = arith.constant 0 : i32
        %cond3A_274 = arith.cmpi ne, %convert_element_type3A_272, %cond3A_273 : i32
        scf.if %cond3A_274 {
          %sub3A_296 = arith.constant 2 : i32
          %sub3A_297 = arith.subi %scan3A_245, %sub3A_296 : i32
          %mul3A_298 = arith.constant 196 : i32
          %mul3A_299 = arith.muli %sub3A_297, %mul3A_298 : i32
          %add3A_300 = arith.addi %mul3A_2, %mul3A_299 : i32
          %dma_wait3A_301 = arith.constant 0 : i32
          %dma_wait3A_302 = arith.constant 0 : i32
          %dma_wait3A_303 = tpu.memref_slice %arg10[%and3A_247, %dma_wait3A_301, %dma_wait3A_302] : memref<2x196x16xf32, #tpu.memory_space<vmem>> -> memref<1x196x16xf32, #tpu.memory_space<vmem>>
          %dma_wait3A_304 = tpu.memref_squeeze %dma_wait3A_303 : memref<1x196x16xf32, #tpu.memory_space<vmem>> -> memref<196x16xf32, #tpu.memory_space<vmem>>
          %dma_wait3A_305 = tpu.memref_slice %arg4[%select_n3A_98, %add3A_300, %mul3A_116] : memref<8x50176x96xf32, #tpu.memory_space<hbm>> -> memref<1x196x16xf32, #tpu.memory_space<hbm>>
          %dma_wait3A_306 = tpu.memref_squeeze %dma_wait3A_305 : memref<1x196x16xf32, #tpu.memory_space<hbm>> -> memref<196x16xf32, #tpu.memory_space<hbm>>
          %dma_wait3A_307 = tpu.memref_slice %arg4[%select_n3A_98, %add3A_300, %mul3A_116] : memref<8x50176x96xf32, #tpu.memory_space<hbm>> -> memref<1x196x16xf32, #tpu.memory_space<hbm>>
          %dma_wait3A_308 = tpu.memref_squeeze %dma_wait3A_307 : memref<1x196x16xf32, #tpu.memory_space<hbm>> -> memref<196x16xf32, #tpu.memory_space<hbm>>
          %dma_wait3A_309 = arith.constant 0 : i32
          %dma_wait3A_310 = arith.constant 0 : i32
          %dma_wait3A_311 = tpu.memref_slice %arg10[%and3A_247, %dma_wait3A_309, %dma_wait3A_310] : memref<2x196x16xf32, #tpu.memory_space<vmem>> -> memref<1x196x16xf32, #tpu.memory_space<vmem>>
          %dma_wait3A_312 = tpu.memref_squeeze %dma_wait3A_311 : memref<1x196x16xf32, #tpu.memory_space<vmem>> -> memref<196x16xf32, #tpu.memory_space<vmem>>
          tpu.wait_dma2 semaphore(%arg16 : memref<!tpu.dma_semaphore, #tpu.memory_space<semaphore_mem>>) src(%dma_wait3A_312 : memref<196x16xf32, #tpu.memory_space<vmem>>) dst(%dma_wait3A_308 : memref<196x16xf32, #tpu.memory_space<hbm>>)
        } else {
        }
        %scan3A_275 = arith.constant 0 : i32
        %scan3A_276 = arith.constant 0 : i32
        %scan3A_277 = arith.constant 196 : i32
        %scan3A_278 = arith.addi %scan3A_276, %scan3A_277 : i32
        %scan3A_279 = arith.constant 1 : i32
        scf.for %scan3A_296 = %scan3A_276 to %scan3A_278 step %scan3A_279  : i32 {
          %mul3A_297 = arith.constant 16 : i32
          %mul3A_298 = arith.muli %scan3A_296, %mul3A_297 : i32
          %get3A = arith.index_cast %and3A_247 : i32 to index
          %get3A_299 = arith.index_cast %mul3A_298 : i32 to index
          %get3A_300 = tpu.vector_load %arg9[%get3A, %get3A_299] {strides = array<i32>} : memref<2x3136xf32, #tpu.memory_space<vmem>>, vector<1x16xf32>,
          %get3A_301 = vector.shape_cast %get3A_300 : vector<1x16xf32> to vector<16xf32>
          %swap3A = arith.index_cast %and3A_247 : i32 to index
          %swap3A_302 = arith.index_cast %scan3A_296 : i32 to index
          %swap3A_303 = arith.constant 0 : index
          %swap3A_304 = tpu.vector_load %arg10[%swap3A, %swap3A_302, %swap3A_303] {strides = array<i32>} : memref<2x196x16xf32, #tpu.memory_space<vmem>>, vector<1x1x16xf32>,
          %swap3A_305 = vector.shape_cast %swap3A_304 : vector<1x1x16xf32> to vector<16xf32>
          %swap3A_306 = vector.shape_cast %get3A_301 : vector<16xf32> to vector<1x1x16xf32>
          tpu.vector_store %arg10[%swap3A, %swap3A_302, %swap3A_303], %swap3A_306 {strides = array<i32>} : memref<2x196x16xf32, #tpu.memory_space<vmem>>, vector<1x1x16xf32>,
        }
        %scan3A_280 = arith.constant 196 : i32
        %mul3A_281 = arith.constant 196 : i32
        %mul3A_282 = arith.muli %scan3A_245, %mul3A_281 : i32
        %add3A_283 = arith.addi %mul3A_2, %mul3A_282 : i32
        %dma_start3A_284 = arith.constant 0 : i32
        %dma_start3A_285 = arith.constant 0 : i32
        %dma_start3A_286 = tpu.memref_slice %arg10[%and3A_247, %dma_start3A_284, %dma_start3A_285] : memref<2x196x16xf32, #tpu.memory_space<vmem>> -> memref<1x196x16xf32, #tpu.memory_space<vmem>>
        %dma_start3A_287 = tpu.memref_squeeze %dma_start3A_286 : memref<1x196x16xf32, #tpu.memory_space<vmem>> -> memref<196x16xf32, #tpu.memory_space<vmem>>
        %dma_start3A_288 = tpu.memref_slice %arg4[%select_n3A_98, %add3A_283, %mul3A_116] : memref<8x50176x96xf32, #tpu.memory_space<hbm>> -> memref<1x196x16xf32, #tpu.memory_space<hbm>>
        %dma_start3A_289 = tpu.memref_squeeze %dma_start3A_288 : memref<1x196x16xf32, #tpu.memory_space<hbm>> -> memref<196x16xf32, #tpu.memory_space<hbm>>
        %dma_start3A_290 = tpu.memref_slice %arg4[%select_n3A_98, %add3A_283, %mul3A_116] : memref<8x50176x96xf32, #tpu.memory_space<hbm>> -> memref<1x196x16xf32, #tpu.memory_space<hbm>>
        %dma_start3A_291 = tpu.memref_squeeze %dma_start3A_290 : memref<1x196x16xf32, #tpu.memory_space<hbm>> -> memref<196x16xf32, #tpu.memory_space<hbm>>
        %dma_start3A_292 = arith.constant 0 : i32
        %dma_start3A_293 = arith.constant 0 : i32
        %dma_start3A_294 = tpu.memref_slice %arg10[%and3A_247, %dma_start3A_292, %dma_start3A_293] : memref<2x196x16xf32, #tpu.memory_space<vmem>> -> memref<1x196x16xf32, #tpu.memory_space<vmem>>
        %dma_start3A_295 = tpu.memref_squeeze %dma_start3A_294 : memref<1x196x16xf32, #tpu.memory_space<vmem>> -> memref<196x16xf32, #tpu.memory_space<vmem>>
        tpu.enqueue_dma source(%dma_start3A_295 : memref<196x16xf32, #tpu.memory_space<vmem>>) target(%dma_start3A_291 : memref<196x16xf32, #tpu.memory_space<hbm>>) target_semaphore(%arg16 : memref<!tpu.dma_semaphore, #tpu.memory_space<semaphore_mem>>)
      }
      %scan3A_207 = arith.constant 16 : i32
      %add3A_208 = arith.constant 2744 : i32
      %add3A_209 = arith.addi %mul3A_2, %add3A_208 : i32
      %dma_wait3A_210 = arith.constant 0 : i32
      %dma_wait3A_211 = arith.constant 0 : i32
      %dma_wait3A_212 = arith.constant 0 : i32
      %dma_wait3A_213 = tpu.memref_slice %arg10[%dma_wait3A_210, %dma_wait3A_211, %dma_wait3A_212] : memref<2x196x16xf32, #tpu.memory_space<vmem>> -> memref<1x196x16xf32, #tpu.memory_space<vmem>>
      %dma_wait3A_214 = tpu.memref_squeeze %dma_wait3A_213 : memref<1x196x16xf32, #tpu.memory_space<vmem>> -> memref<196x16xf32, #tpu.memory_space<vmem>>
      %dma_wait3A_215 = tpu.memref_slice %arg4[%select_n3A_98, %add3A_209, %mul3A_116] : memref<8x50176x96xf32, #tpu.memory_space<hbm>> -> memref<1x196x16xf32, #tpu.memory_space<hbm>>
      %dma_wait3A_216 = tpu.memref_squeeze %dma_wait3A_215 : memref<1x196x16xf32, #tpu.memory_space<hbm>> -> memref<196x16xf32, #tpu.memory_space<hbm>>
      %dma_wait3A_217 = tpu.memref_slice %arg4[%select_n3A_98, %add3A_209, %mul3A_116] : memref<8x50176x96xf32, #tpu.memory_space<hbm>> -> memref<1x196x16xf32, #tpu.memory_space<hbm>>
      %dma_wait3A_218 = tpu.memref_squeeze %dma_wait3A_217 : memref<1x196x16xf32, #tpu.memory_space<hbm>> -> memref<196x16xf32, #tpu.memory_space<hbm>>
      %dma_wait3A_219 = arith.constant 0 : i32
      %dma_wait3A_220 = arith.constant 0 : i32
      %dma_wait3A_221 = tpu.memref_slice %arg10[%dma_wait3A_210, %dma_wait3A_219, %dma_wait3A_220] : memref<2x196x16xf32, #tpu.memory_space<vmem>> -> memref<1x196x16xf32, #tpu.memory_space<vmem>>
      %dma_wait3A_222 = tpu.memref_squeeze %dma_wait3A_221 : memref<1x196x16xf32, #tpu.memory_space<vmem>> -> memref<196x16xf32, #tpu.memory_space<vmem>>
      tpu.wait_dma2 semaphore(%arg16 : memref<!tpu.dma_semaphore, #tpu.memory_space<semaphore_mem>>) src(%dma_wait3A_222 : memref<196x16xf32, #tpu.memory_space<vmem>>) dst(%dma_wait3A_218 : memref<196x16xf32, #tpu.memory_space<hbm>>)
      %add3A_223 = arith.constant 2940 : i32
      %add3A_224 = arith.addi %mul3A_2, %add3A_223 : i32
      %dma_wait3A_225 = arith.constant 1 : i32
      %dma_wait3A_226 = arith.constant 0 : i32
      %dma_wait3A_227 = arith.constant 0 : i32
      %dma_wait3A_228 = tpu.memref_slice %arg10[%dma_wait3A_225, %dma_wait3A_226, %dma_wait3A_227] : memref<2x196x16xf32, #tpu.memory_space<vmem>> -> memref<1x196x16xf32, #tpu.memory_space<vmem>>
      %dma_wait3A_229 = tpu.memref_squeeze %dma_wait3A_228 : memref<1x196x16xf32, #tpu.memory_space<vmem>> -> memref<196x16xf32, #tpu.memory_space<vmem>>
      %dma_wait3A_230 = tpu.memref_slice %arg4[%select_n3A_98, %add3A_224, %mul3A_116] : memref<8x50176x96xf32, #tpu.memory_space<hbm>> -> memref<1x196x16xf32, #tpu.memory_space<hbm>>
      %dma_wait3A_231 = tpu.memref_squeeze %dma_wait3A_230 : memref<1x196x16xf32, #tpu.memory_space<hbm>> -> memref<196x16xf32, #tpu.memory_space<hbm>>
      %dma_wait3A_232 = tpu.memref_slice %arg4[%select_n3A_98, %add3A_224, %mul3A_116] : memref<8x50176x96xf32, #tpu.memory_space<hbm>> -> memref<1x196x16xf32, #tpu.memory_space<hbm>>
      %dma_wait3A_233 = tpu.memref_squeeze %dma_wait3A_232 : memref<1x196x16xf32, #tpu.memory_space<hbm>> -> memref<196x16xf32, #tpu.memory_space<hbm>>
      %dma_wait3A_234 = arith.constant 0 : i32
      %dma_wait3A_235 = arith.constant 0 : i32
      %dma_wait3A_236 = tpu.memref_slice %arg10[%dma_wait3A_225, %dma_wait3A_234, %dma_wait3A_235] : memref<2x196x16xf32, #tpu.memory_space<vmem>> -> memref<1x196x16xf32, #tpu.memory_space<vmem>>
      %dma_wait3A_237 = tpu.memref_squeeze %dma_wait3A_236 : memref<1x196x16xf32, #tpu.memory_space<vmem>> -> memref<196x16xf32, #tpu.memory_space<vmem>>
      tpu.wait_dma2 semaphore(%arg16 : memref<!tpu.dma_semaphore, #tpu.memory_space<semaphore_mem>>) src(%dma_wait3A_237 : memref<196x16xf32, #tpu.memory_space<vmem>>) dst(%dma_wait3A_233 : memref<196x16xf32, #tpu.memory_space<hbm>>)
      %scan3A_238 = arith.constant 0 : i32
      %scan3A_239 = arith.constant 0 : i32
      %scan3A_240 = arith.constant 16 : i32
      %scan3A_241 = arith.addi %scan3A_239, %scan3A_240 : i32
      %scan3A_242 = arith.constant 1 : i32
      scf.for %scan3A_245 = %scan3A_239 to %scan3A_241 step %scan3A_242  : i32 {
        %mul3A_246 = arith.constant 3136 : i32
        %mul3A_247 = arith.muli %scan3A_245, %mul3A_246 : i32
        %add3A_248 = arith.addi %mul3A_0, %mul3A_247 : i32
        %dma_wait3A_249 = tpu.memref_slice %arg12[%add3A_248] : memref<802816xf32, #tpu.memory_space<vmem_shared>> -> memref<3136xf32, #tpu.memory_space<vmem_shared>>
        %dma_wait3A_250 = tpu.memref_slice %arg12[%add3A_248] : memref<802816xf32, #tpu.memory_space<vmem_shared>> -> memref<3136xf32, #tpu.memory_space<vmem_shared>>
        tpu.wait_dma2 semaphore(%arg17 : memref<!tpu.dma_semaphore, #tpu.memory_space<semaphore_mem>>) src(%arg11 : memref<3136xf32, #tpu.memory_space<vmem>>) dst(%dma_wait3A_250 : memref<3136xf32, #tpu.memory_space<vmem_shared>>)
      }
      %scan3A_243 = arith.constant 16 : i32
      %barrier3A_244 = arith.constant 0 : index
      tpu.barrier barrier_id(%barrier3A_244)
    }
    %scan3A_70 = arith.constant 24 : i32
    return
  }
}

</mosaic_0001>

<sc_bundles>
// kernel: kernel.3.cloned.1.call-start
scs
__scs_entry_jumppad:
0x0: {  	(pc) =	sbr.rel $0x88, $3  }
0x1: {  	(tag) =	ssettag $0x0;
	lr =	simm.s32 $0x1  }
0x2: {  	[smem:$0x3F9F] =	sst lr;
	_ =	strace $0xD0000000  }
0x3: {  	_ = 	snop  }
0x4: {  	_ = 	snop  }
0x5: {  	_ = 	snop  }
0x6: {  	_ = 	snop  }
0x7: {  	_ = 	snop  }
__scs_overlays_trampoline_lowered:
0x8: {  	[smem:$0x3FAE] =	sst s0  }
0x9: {  	[smem:$0x3FAF] =	sst s1  }
0xa: {  	[smem:$0x3FB0] =	sst s2  }
0xb: {  	[smem:$0x3FB1] =	sst s3  }
0xc: {  	[smem:$0x3FB2] =	sst s4  }
0xd: {  	[smem:$0x3FB3] =	sst s5  }
0xe: {  	[smem:$0x3FB4] =	sst s6  }
0xf: {  	[smem:$0x3FB5] =	sst s7  }
0x10: {  	[smem:$0x3FB6] =	sst s8  }
0x11: {  	[smem:$0x3FB7] =	sst s9;
	s0 =	simm.s32 @!p0 $0x0  }
0x12: {  	s1 =	sld [smem:$0x3F9D];
	s0 =	simm.s32 @p0 $0x1  }
0x13: {  	[smem:$0x3FB8] =	sst s0;
	s0 =	simm.s32 @!p1 $0x0  }
0x14: {  	s2 =	sld [smem:$0x3F9C];
	s0 =	simm.s32 @p1 $0x1  }
0x15: {  	[smem:$0x3FB9] =	sst s0;
	s0 =	simm.s32 @!p2 $0x0  }
0x16: {  	s3 =	sld [smem:$0x3FDB];
	s0 =	simm.s32 @p2 $0x1  }
0x17: {  	s4 =	simm.s32 $0x1BF5;
	[smem:$0x3FBB] =	sst s0  }
0x18: {  	s0 =	sld [smem:$0x3F9E];
	_ =	swait.ge [sflag:s4], $0x0  }
0x19: {  	s7 =	sld [smem:$0x3F9F]  }
0x1a: {  	s8 =	sadd.s32 $0xFFFFE003, lr  }
0x1b: {  	s9 =	sadd.s32 $0xFFFFFEF7, lr;
	s5 =	simm.s32 $0xFFFFFFFF;
	p2 =	slt.u32 s8, $0xFFFFF086  }
0x1c: {  	p1 =	slt.u32 s9, $0xF7A;
	s5 =	simm.s32 @!p2 $0x0  }
0x1d: {  	s5 =	simm.s32 @p1 $0x1;
	p0 =	seq.s32 s7, s2  }
0x1e: {  	s7 =	smul.u32 @!p0 $0xF7A, s2;
	p2 =	seq.s32 @!p0 s5, $0x0  }
0x1f: {  	s9 =	smul.u32 $0xF7A, s1;
	s8 =	simm.s32 @!p0 $0x1BF5;
	p2 =	por !p2, p0  }
0x20: {  	[sflag:s8] =	ssyncset.s32 @!p0 $0xFFFFF086;
	s6 =	sadd.s32 @!p0 s3, s7;
	s7 =	simm.s32 @!p0 $0x108  }
0x21: {  	s3 =	sadd.s32 s3, s9;
	s6 =	sadd.s32 @!p0 $0x88, s6;
	s7 =	simm.s32 @p2 $0x1082  }
0x22: {  	[simem:s7], [sflag:s8] =	dma.local @!p0 [hbm:s6], $0xF7A  }
0x23: {  	s9 =	sor.u32 $0xD0000000, s2;
	s6 =	simm.s32 $0x108;
	_ =	swait.ge @!p0 [sflag:s8], $0x0  }
0x24: {  	s3 =	sadd.s32 $0x88, s3;
	s6 =	simm.s32 @!p1 $0x1082;
	[sflag:s4] =	ssyncset.s32 $0xFFFFF086  }
0x25: {  	[simem:s6], [sflag:s4] =	dma.local [hbm:s3], $0xF7A  }
0x26: {  	[smem:$0x3F9F] =	sst s1;
	(tag) =	ssettag s2;
	_ =	strace s9  }
0x27: {  	s1 =	sld [smem:$0x3FAF]  }
0x28: {  	s2 =	sld [smem:$0x3FB0]  }
0x29: {  	s4 =	sld [smem:$0x3FB2]  }
0x2a: {  	p0 =	seq.s32 s5, $0x0;
	s5 =	sld [smem:$0x3FB3]  }
0x2b: {  	s6 =	sld [smem:$0x3FB4]  }
0x2c: {  	s7 =	sld [smem:$0x3FB5]  }
0x2d: {  	s3 =	simm.s32 $0x108;
	s8 =	sld [smem:$0x3FB6]  }
0x2e: {  	s3 =	simm.s32 @!p0 $0x1082;
	s9 =	sld [smem:$0x3FB7]  }
0x2f: {  	lr =	sadd.s32 s0, s3;
	s0 =	sld [smem:$0x3FAE]  }
0x30: {  	s3 =	sld [smem:$0x3FB1]  }
0x31: {  	[smem:$0x3FBA] =	sst s10  }
0x32: {  	s10 =	sld [smem:$0x3FB8];
	_ =	sdelay $0x3  }
0x33: {  	p0 =	seq.s32 s10, $0x1;
	s10 =	sld [smem:$0x3FBA];
	_ =	sdelay $0x3  }
0x34: {  	[smem:$0x3FBA] =	sst s10  }
0x35: {  	s10 =	sld [smem:$0x3FB9];
	_ =	sdelay $0x3  }
0x36: {  	p1 =	seq.s32 s10, $0x1;
	s10 =	sld [smem:$0x3FBA];
	_ =	sdelay $0x3  }
0x37: {  	[smem:$0x3FBA] =	sst s10  }
0x38: {  	s10 =	sld [smem:$0x3FBB]  }
0x39: {  	_ = 	snop;
	(pc) =	sbr.ind lr, $3  }
0x3a: {  	_ = 	snop  }
0x3b: {  	_ = 	snop  }
0x3c: {  	p2 =	seq.s32 s10, $0x1;
	s10 =	sld [smem:$0x3FBA]  }
0x3d: {  	_ =	shalt  }
0x3e: {  	_ =	shalt  }
0x3f: {  	_ =	shalt  }
0x40: {  	_ =	shalt  }
0x41: {  	_ =	shalt  }
0x42: {  	_ =	shalt  }
0x43: {  	_ =	shalt  }
0x44: {  	_ =	shalt  }
0x45: {  	_ =	shalt  }
0x46: {  	_ =	shalt  }
0x47: {  	_ =	shalt  }
0x48: {  	_ =	shalt  }
0x49: {  	_ =	shalt  }
0x4a: {  	_ =	shalt  }
0x4b: {  	_ =	shalt  }
0x4c: {  	_ =	shalt  }
0x4d: {  	_ =	shalt  }
0x4e: {  	_ =	shalt  }
0x4f: {  	_ =	shalt  }
0x50: {  	_ =	shalt  }
0x51: {  	_ =	shalt  }
0x52: {  	_ =	shalt  }
0x53: {  	_ =	shalt  }
0x54: {  	_ =	shalt  }
0x55: {  	_ =	shalt  }
0x56: {  	_ =	shalt  }
0x57: {  	_ =	shalt  }
0x58: {  	_ =	shalt  }
0x59: {  	_ =	shalt  }
0x5a: {  	_ =	shalt  }
0x5b: {  	_ =	shalt  }
0x5c: {  	_ =	shalt  }
0x5d: {  	_ =	shalt  }
0x5e: {  	_ =	shalt  }
0x5f: {  	_ =	shalt  }
0x60: {  	_ =	shalt  }
0x61: {  	_ =	shalt  }
0x62: {  	_ =	shalt  }
0x63: {  	_ =	shalt  }
0x64: {  	_ =	shalt  }
0x65: {  	_ =	shalt  }
0x66: {  	_ =	shalt  }
0x67: {  	_ =	shalt  }
0x68: {  	_ =	shalt  }
0x69: {  	_ =	shalt  }
0x6a: {  	_ =	shalt  }
0x6b: {  	_ =	shalt  }
0x6c: {  	_ =	shalt  }
0x6d: {  	_ =	shalt  }
0x6e: {  	_ =	shalt  }
0x6f: {  	_ =	shalt  }
0x70: {  	_ =	shalt  }
0x71: {  	_ =	shalt  }
0x72: {  	_ =	shalt  }
0x73: {  	_ =	shalt  }
0x74: {  	_ =	shalt  }
0x75: {  	_ =	shalt  }
0x76: {  	_ =	shalt  }
0x77: {  	_ =	shalt  }
0x78: {  	_ =	shalt  }
0x79: {  	_ =	shalt  }
0x7a: {  	_ =	shalt  }
0x7b: {  	_ =	shalt  }
0x7c: {  	_ =	shalt  }
0x7d: {  	_ =	shalt  }
0x7e: {  	_ =	shalt  }
0x7f: {  	_ =	shalt  }
0x80: {  	_ =	shalt  }
0x81: {  	_ =	shalt  }
0x82: {  	_ =	shalt  }
0x83: {  	_ =	shalt  }
0x84: {  	_ =	shalt  }
0x85: {  	_ =	shalt  }
0x86: {  	_ =	shalt  }
0x87: {  	_ =	shalt  }
.Lfunc_end0:
.L_simem_size_0:
called_computation.1_lowered:
.L_overlay_start_0:
0x88: {  	s2 =	sld [smem:$0x3FD9]  }
0x89: {  	s3 =	sld [smem:$0x3FFE];
	_ =	sdelay $0x1  }
0x8a: {  	s1 =	srdreg.scid  }
0x8b: {  	s0 =	sand.u32 $0x1, s1  }
0x8c: {  	s17 =	sshll.u32 s0, $0xA;
	s2 =	sadd.s32 s3, s2  }
0x8d: {  	s2 =	sadd.s32 s2, s17  }
0x8e: {  	[smem:$0x3FC6] =	sst s2  }
0x8f: {  	_ = 	snop  }
0x90: {  	s2 =	sld [smem:$0x3FD0];
	(tm) =	ssettm $0x1  }
0x91: {  	s18 =	sld [smem:$0x3FFB];
	_ =	sdelay $0x3  }
0x92: {  	_ =	strace s18  }
0x93: {  	s3 =	sld [smem:$0x3FFC];
	_ =	sdelay $0x3  }
0x94: {  	_ =	strace s3  }
0x95: {  	s3 =	sld [smem:$0x3FFD];
	_ =	sdelay $0x3  }
0x96: {  	_ =	strace s3  }
0x97: {  	_ =	strace $0x8FFFFFFF  }
0x98: {  	s19 =	sld [smem:$0x3FDB];
	_ =	sdelay $0x1  }
0x99: {  	s4 =	simm.s32 $_scs_section_size  }
0x9a: {  	s5 =	simm.s32 $_size__tile_overlayer_lowered;
	s6 =	simm.s32 $_tile_overlayer_lowered  }
0x9b: {  	s22 =	simm.s32 $0x1BFF;
	s21 =	sshll.u32 s6, $0x1;
	s3 =	sadd.s32 s4, s19  }
0x9c: {  	s7 =	simm.s32 $0x0;
	s20 =	sshll.u32 s5, $0x1;
	s5 =	sadd.s32 s21, s3  }
0x9d: {  	[timem:s7], [sflag:s22] =	dma.local [hbm:s5], s20  }
0x9e: {  	_ =	swait.ge [sflag:s22], s20  }
0x9f: {  	s4 =	ssub.s32 $0x0, s20;
	[sflag:s22] =	ssyncset.done $0x0  }
0xa0: {  	[sflag:s22] =	ssyncadd.s32 s4;
	_ =	sdelay $0x1  }
0xa1: {  	s23 =	simm.s32 $0x1B8B  }
0xa2: {  	_ =	swait.ge [sflag:s23], $0x1  }
0xa3: {  	[sflag:s23] =	ssyncset.done $0x0  }
0xa4: {  	s25 =	simm.s32 $0x1B8E;
	s24 =	sld [smem:$0x3FFE];
	[sflag:s23] =	ssyncadd.s32 $0xFFFFFFFF  }
0xa5: {  	s26 =	simm.s32 $execute0_lowered;
	[smem:$0x3FD2] =	sst s25  }
0xa6: {  	s5 =	sshll.u32 s26, $0x1;
	_ =	strace $0x80000046;
	[dreg:$0x1] =	wrdreg $0xFFFFFFFF  }
0xa7: {  	s28 =	simm.s32 $_size_execute0_lowered;
	s3 =	sadd.s32 s3, s5;
	[dreg:$0x0] =	wrdreg $0x0  }
0xa8: {  	s5 =	sshll.u32 s28, $0x1;
	[dreg:$0x2] =	wrdreg s3  }
0xa9: {  	[dreg:$0x3] =	wrdreg s5  }
0xaa: {  	[dreg:$0x4] =	wrdreg $0xC0  }
0xab: {  	_ =	task [dreg:s7], $0x5FFFF  }
0xac: {  	[dreg:$0x1] =	wrdreg $0xFFFFFFFF  }
0xad: {  	[dreg:$0x0] =	wrdreg $0x60  }
0xae: {  	[dreg:$0x2] =	wrdreg s24  }
0xaf: {  	[dreg:$0x3] =	wrdreg s2  }
0xb0: {  	[dreg:$0x4] =	wrdreg $0x101400  }
0xb1: {  	[dreg:$0x5] =	wrdreg $0x9  }
0xb2: {  	_ =	task.clear_ibuf [dreg:s7], $0x6FFFF;
	_ =	strace $0x90000046  }
0xb3: {  	s29 =	simm.s32 $0x9;
	_ =	strace $0x80000048  }
0xb4: {  	_ =	swait.ge [sflag:s29], $0x1  }
0xb5: {  	[sflag:s29] =	ssyncadd.s32 $0xFFFFFFFF  }
0xb6: {  	_ =	strace $0x90000048  }
0xb7: {  	_ =	sfence  }
0xb8: {  	s30 =	sld [smem:$0x0];
	_ =	sdelay $0x2  }
0xb9: {  	s31 =	sshll.u32 s1, $0xD;
	s1 =	sshrl.u32 s1, $0x2  }
0xba: {  	s3 =	sand.u32 $0x4000, s31;
	s1 =	sadd.s32 s1, s30  }
0xbb: {  	s0 =	sor.u32 s3, s0;
	s1 =	sshll.u32 s1, $0x11  }
0xbc: {  	s0 =	sor.u32 s1, s0  }
0xbd: {  	s0 =	sadd.s32 $0x8F2B, s0  }
0xbe: {  	[sflag:s0] =	ssyncadd.remote.s32 $0x1  }
0xbf: {  	_ =	sfence.sel $0xFFFF  }
0xc0: {  	[dreg:$0x0] =	wrdreg $0xFFFFFFFF;
	(pc) =	sbr.abs _section_cstart, $3  }
0xc1: {  	[dreg:$0x1] =	wrdreg $0xFFFFFFFF  }
0xc2: {  	_ =	task.clear_ibuf [dreg:s7], $0x2FFFF;
	_ =	strace $0x9FFFFFFF  }
0xc3: {  	(tm) =	ssettm $0x7FFFFFFF  }
tec
execute0_lowered:
.L_overlay_start_1:
0x0: {  	(tag) =	ssettag $0x1  }
0x1: {  	s0 =	rddreg [dreg:$0x0]  }
0x2: {  	s1 =	rddreg [dreg:$0x1]  }
0x3: {  	s2 =	rddreg [dreg:$0x2]  }
0x4: {  	s3 =	simm.s32 $0x0;
	s4 =	srdreg.scid;
	s12 =	stileid.u32  }
0x5: {  	[smem:$0x7FF] =	sst s3;
	s5 =	sand.u32 $0x1, s4;
	s7 =	smul.u32 $0x12600, s12  }
0x6: {  	s6 =	sadd.s32 $0x800, s0;
	s4 =	ssub.s32 $0x2, s5;
	s10 =	sshll.u32 s5, $0x4  }
0x7: {  	s11 =	smul.u32 $0x31000, s12;
	s9 =	sshrl.u32 s4, $0x1;
	s10 =	sor.u32 s10, s7  }
0x8: {  	s8 =	sadd.s32 $0x126800, s0;
	s26 =	ssub.s32 s4, s9;
	s4 =	sshrl.u32 s10, $0x3  }
0x9: {  	_ =	strace $0x80000047;
	s13 =	sshrl.u32 s11, $0x2;
	s14 =	sadd.s32 s8, s4  }
0xa: {  	s9 =	smul.u32 $0xC40, s12;
	s4 =	sadd.s32 s6, s4;
	[dreg:$0x4] =	wrdreg s14  }
0xb: {  	s12 =	sadd.s32 s13, s2;
	s0 =	smax.u32 s26, $0x1;
	[dreg:$0x5] =	wrdreg s4  }
0xc: {  	s15 =	sadd.s32 $0xC40, s12;
	[dreg:$0x6] =	wrdreg s0  }
0xd: {  	s16 =	sadd.s32 $0x1880, s12;
	[dreg:$0x7] =	wrdreg s15  }
0xe: {  	s17 =	sadd.s32 $0x24C0, s12;
	[dreg:$0x8] =	wrdreg s16  }
0xf: {  	s18 =	sadd.s32 $0x3100, s12;
	[dreg:$0x9] =	wrdreg s17  }
0x10: {  	s19 =	sadd.s32 $0x3D40, s12;
	[dreg:$0xa] =	wrdreg s18  }
0x11: {  	s20 =	sadd.s32 $0x4980, s12;
	[dreg:$0xb] =	wrdreg s19  }
0x12: {  	s21 =	sadd.s32 $0x55C0, s12;
	[dreg:$0xc] =	wrdreg s20  }
0x13: {  	s30 =	simm.s32 $0x10;
	s22 =	sadd.s32 $0x6200, s12;
	[dreg:$0xd] =	wrdreg s21  }
0x14: {  	s31 =	simm.s32 $0x60;
	s23 =	sadd.s32 $0x6E40, s12;
	[dreg:$0xe] =	wrdreg s22  }
0x15: {  	s11 =	simm.s32 $0x80;
	s24 =	sadd.s32 $0x7A80, s12;
	[dreg:$0xf] =	wrdreg s23  }
0x16: {  	s10 =	simm.s32 $0x2;
	s25 =	sadd.s32 $0x86C0, s12;
	[dreg:$0x10] =	wrdreg s24  }
0x17: {  	s13 =	simm.s32 $0x1;
	s26 =	sadd.s32 $0x9300, s12;
	[dreg:$0x11] =	wrdreg s25  }
0x18: {  	s28 =	sadd.s32 $0xAB80, s12;
	s29 =	sadd.s32 $0xB7C0, s12;
	[dreg:$0x12] =	wrdreg s26  }
0x19: {  	s26 =	sadd.s32 $0x9F40, s12;
	s4 =	simm.s32 $0xF500;
	s0 =	simm.s32 $0x5  }
0x1a: {  	v0 =	vimm.f32 $0.0e+00;
	v1 =	vimm.s32 $0x0;
	v2 =	vlaneseq.u32;
	s14 =	simm.s32 $0xC400;
	s15 =	simm.s32 $0x3;
	s16 =	simm.s32 $0x4  }
.LBB2_1:
0x1b: {  	s17 =	simm.s32 $0x40;
	s18 =	simm.s32 $0x0  }
.LBB2_2:
0x1c: {  	p0 =	sne.s32 s17, $0x30C0;
	[tilespmem:s18+$0xF500] =	vst v0;
	s18 =	smov.u32 s17;
	s17 =	sadd.s32 $0x40, s17  }
.Ltmp0:
0x1d: {  	(pc) =	sbr.rel @p0 .LBB2_2-.Ltmp0, $2  }
0x1e: {  	_ =	sdelay $0x2  }
0x1f: {  	s18 =	sshra.s32 s18, $0x2  }
0x20: {  	[tilespmem:s18+$0xF500] =	vst v0;
	s17 =	simm.s32 $0x0;
	s19 =	rddreg [dreg:$0x4]  }
0x21: {  	[tilespmem:s17], [sflag:$0x2] =	stream.strided.gather [hbm4b:s19+s30], $0x3100, s31, s30, $0x38;
	[tilespmem:$0x1C540] =	vst v63  }
0x22: {  	s20 =	rddreg [dreg:$0x5];
	s19 =	simm.s32 $0x3100  }
0x23: {  	[tilespmem:s19], [sflag:$0x2] =	stream.strided.gather [hbm4b:s20+s30], $0x3100, s31, s30, $0x38;
	[tilespmem:$0x1C540] =	vst v63  }
0x24: {  	_ = 	snop  }
0x25: {  	[spmem:s12] =	stream.linear.scatter [tilespmem:s4], [sflag:$0x5], $0xC40, $0x38;
	[tilespmem:$0x1C540] =	vst v63  }
0x26: {  	s21 =	rddreg [dreg:$0x7]  }
0x27: {  	[spmem:s21] =	stream.linear.scatter [tilespmem:s4], [sflag:$0x5], $0xC40, $0x38;
	[tilespmem:$0x1C540] =	vst v63  }
0x28: {  	s22 =	rddreg [dreg:$0x8]  }
0x29: {  	[spmem:s22] =	stream.linear.scatter [tilespmem:s4], [sflag:$0x5], $0xC40, $0x38;
	[tilespmem:$0x1C540] =	vst v63  }
0x2a: {  	s23 =	rddreg [dreg:$0x9]  }
0x2b: {  	[spmem:s23] =	stream.linear.scatter [tilespmem:s4], [sflag:$0x5], $0xC40, $0x38;
	[tilespmem:$0x1C540] =	vst v63  }
0x2c: {  	s24 =	rddreg [dreg:$0xa]  }
0x2d: {  	[spmem:s24] =	stream.linear.scatter [tilespmem:s4], [sflag:$0x5], $0xC40, $0x38;
	[tilespmem:$0x1C540] =	vst v63  }
0x2e: {  	s25 =	rddreg [dreg:$0xb]  }
0x2f: {  	[spmem:s25] =	stream.linear.scatter [tilespmem:s4], [sflag:$0x5], $0xC40, $0x38;
	[tilespmem:$0x1C540] =	vst v63  }
0x30: {  	s19 =	rddreg [dreg:$0xc]  }
0x31: {  	[spmem:s19] =	stream.linear.scatter [tilespmem:s4], [sflag:$0x5], $0xC40, $0x38;
	[tilespmem:$0x1C540] =	vst v63  }
0x32: {  	s20 =	rddreg [dreg:$0xd]  }
0x33: {  	[spmem:s20] =	stream.linear.scatter [tilespmem:s4], [sflag:$0x5], $0xC40, $0x38;
	[tilespmem:$0x1C540] =	vst v63  }
0x34: {  	s21 =	rddreg [dreg:$0xe]  }
0x35: {  	[spmem:s21] =	stream.linear.scatter [tilespmem:s4], [sflag:$0x5], $0xC40, $0x38;
	[tilespmem:$0x1C540] =	vst v63  }
0x36: {  	s22 =	rddreg [dreg:$0xf]  }
0x37: {  	[spmem:s22] =	stream.linear.scatter [tilespmem:s4], [sflag:$0x5], $0xC40, $0x38;
	[tilespmem:$0x1C540] =	vst v63  }
0x38: {  	s23 =	rddreg [dreg:$0x10]  }
0x39: {  	[spmem:s23] =	stream.linear.scatter [tilespmem:s4], [sflag:$0x5], $0xC40, $0x38;
	[tilespmem:$0x1C540] =	vst v63  }
0x3a: {  	s24 =	rddreg [dreg:$0x11]  }
0x3b: {  	[spmem:s24] =	stream.linear.scatter [tilespmem:s4], [sflag:$0x5], $0xC40, $0x38;
	[tilespmem:$0x1C540] =	vst v63  }
0x3c: {  	s25 =	rddreg [dreg:$0x12]  }
0x3d: {  	[spmem:s25] =	stream.linear.scatter [tilespmem:s4], [sflag:$0x5], $0xC40, $0x38;
	[tilespmem:$0x1C540] =	vst v63  }
0x3e: {  	_ = 	snop  }
0x3f: {  	[spmem:s26] =	stream.linear.scatter [tilespmem:s4], [sflag:$0x5], $0xC40, $0x38;
	[tilespmem:$0x1C540] =	vst v63  }
0x40: {  	_ = 	snop  }
0x41: {  	[spmem:s28] =	stream.linear.scatter [tilespmem:s4], [sflag:$0x5], $0xC40, $0x38;
	[tilespmem:$0x1C540] =	vst v63  }
0x42: {  	_ = 	snop  }
0x43: {  	[spmem:s29] =	stream.linear.scatter [tilespmem:s4], [sflag:$0x5], $0xC40, $0x38;
	[tilespmem:$0x1C540] =	vst v63  }
0x44: {  	_ =	swait.ge [sflag:s0], $0xC40  }
0x45: {  	[sflag:s0] =	ssyncset.done $0x0  }
0x46: {  	[sflag:s0] =	ssyncadd.s32 $0xFFFFF3C0  }
0x47: {  	_ =	swait.ge [sflag:s0], $0xC40  }
0x48: {  	[sflag:s0] =	ssyncset.done $0x0  }
0x49: {  	[sflag:s0] =	ssyncadd.s32 $0xFFFFF3C0  }
0x4a: {  	_ =	swait.ge [sflag:s0], $0xC40  }
0x4b: {  	[sflag:s0] =	ssyncset.done $0x0  }
0x4c: {  	[sflag:s0] =	ssyncadd.s32 $0xFFFFF3C0  }
0x4d: {  	_ =	swait.ge [sflag:s0], $0xC40  }
0x4e: {  	[sflag:s0] =	ssyncset.done $0x0  }
0x4f: {  	[sflag:s0] =	ssyncadd.s32 $0xFFFFF3C0  }
0x50: {  	_ =	swait.ge [sflag:s0], $0xC40  }
0x51: {  	[sflag:s0] =	ssyncset.done $0x0  }
0x52: {  	[sflag:s0] =	ssyncadd.s32 $0xFFFFF3C0  }
0x53: {  	_ =	swait.ge [sflag:s0], $0xC40  }
0x54: {  	[sflag:s0] =	ssyncset.done $0x0  }
0x55: {  	[sflag:s0] =	ssyncadd.s32 $0xFFFFF3C0  }
0x56: {  	_ =	swait.ge [sflag:s0], $0xC40  }
0x57: {  	[sflag:s0] =	ssyncset.done $0x0  }
0x58: {  	[sflag:s0] =	ssyncadd.s32 $0xFFFFF3C0  }
0x59: {  	_ =	swait.ge [sflag:s0], $0xC40  }
0x5a: {  	[sflag:s0] =	ssyncset.done $0x0  }
0x5b: {  	[sflag:s0] =	ssyncadd.s32 $0xFFFFF3C0  }
0x5c: {  	_ =	swait.ge [sflag:s0], $0xC40  }
0x5d: {  	[sflag:s0] =	ssyncset.done $0x0  }
0x5e: {  	[sflag:s0] =	ssyncadd.s32 $0xFFFFF3C0  }
0x5f: {  	_ =	swait.ge [sflag:s0], $0xC40  }
0x60: {  	[sflag:s0] =	ssyncset.done $0x0  }
0x61: {  	[sflag:s0] =	ssyncadd.s32 $0xFFFFF3C0  }
0x62: {  	_ =	swait.ge [sflag:s0], $0xC40  }
0x63: {  	[sflag:s0] =	ssyncset.done $0x0  }
0x64: {  	[sflag:s0] =	ssyncadd.s32 $0xFFFFF3C0  }
0x65: {  	_ =	swait.ge [sflag:s0], $0xC40  }
0x66: {  	[sflag:s0] =	ssyncset.done $0x0  }
0x67: {  	[sflag:s0] =	ssyncadd.s32 $0xFFFFF3C0  }
0x68: {  	_ =	swait.ge [sflag:s0], $0xC40  }
0x69: {  	[sflag:s0] =	ssyncset.done $0x0  }
0x6a: {  	[sflag:s0] =	ssyncadd.s32 $0xFFFFF3C0  }
0x6b: {  	_ =	swait.ge [sflag:s0], $0xC40  }
0x6c: {  	[sflag:s0] =	ssyncset.done $0x0  }
0x6d: {  	[sflag:s0] =	ssyncadd.s32 $0xFFFFF3C0  }
0x6e: {  	_ =	swait.ge [sflag:s0], $0xC40  }
0x6f: {  	[sflag:s0] =	ssyncset.done $0x0  }
0x70: {  	[sflag:s0] =	ssyncadd.s32 $0xFFFFF3C0  }
0x71: {  	_ =	swait.ge [sflag:s0], $0xC40  }
0x72: {  	[sflag:s0] =	ssyncset.done $0x0  }
0x73: {  	[sflag:s0] =	ssyncadd.s32 $0xFFFFF3C0  }
0x74: {  	[bflag:$0x0] =	sbarrier.arrive $0xFFFF  }
.LBB2_4:
0x75: {  	_ =	swait.ge [sflag:s10], $0x3100  }
0x76: {  	[sflag:s10] =	ssyncset.done $0x0  }
0x77: {  	[sflag:s10] =	ssyncadd.s32 $0xFFFFCF00  }
0x78: {  	_ =	swait.ge [sflag:s10], $0x3100  }
0x79: {  	p0 =	por $0x1, $0x1;
	[sflag:s10] =	ssyncset.done $0x0  }
0x7a: {  	s18 =	simm.s32 @!p0 $0x1;
	[sflag:s10] =	ssyncadd.s32 $0xFFFFCF00  }
0x7b: {  	_ =	swait.ge @!p0 [sflag:s18], $0x80  }
0x7c: {  	[sflag:s18] =	ssyncset.done @!p0 $0x0  }
0x7d: {  	[sflag:s18] =	ssyncadd.s32 @!p0 $0xFFFFFF80;
	s18 =	simm.s32 $0x0  }
0x7e: {  	v3 =	vld [tilespmem:s18+$0x30]  }
0x7f: {  	v4 =	vld [tilespmem:s18+$0x10]  }
0x80: {  	v5 =	vld [tilespmem:s18+$0x40]  }
0x81: {  	v11 =	vld [tilespmem:s18+$0x60]  }
0x82: {  	v6 =	vld [tilespmem:s18+$0x0];
	_ =	sdelay $0x1  }
0x83: {  	v8 =	vld [tilespmem:s18+$0x70]  }
0x84: {  	v7 =	vshra.s32 v3, $0x5;
	v12 =	vshra.s32 v4, $0x5;
	v13 =	vshra.s32 v5, $0x5  }
0x85: {  	v10 =	vld [tilespmem:s18+$0x50];
	v11 =	vshra.s32 v11, $0x5;
	v9 =	vcvt.s32.f32 v7;
	v4 =	vcvt.s32.f32 v13  }
0x86: {  	v3 =	vshra.s32 v6, $0x5;
	v14 =	vcvt.s32.f32 v12;
	v23 =	vcvt.s32.f32 v11  }
0x87: {  	v6 =	vld [tilespmem:s18+$0x20];
	v5 =	vmul.f32 $3.333333430e-01, v9;
	v9 =	vcvt.s32.f32 v3  }
0x88: {  	v16 =	vshra.s32 v8, $0x5;
	v8 =	vld [tilespmem:s18+$0x3130];
	v15 =	vmul.f32 $3.333333430e-01, v4;
	v14 =	vmul.f32 $3.333333430e-01, v14  }
0x89: {  	v4 =	vtrunc.f32 v5;
	v5 =	vcvt.s32.f32 v16  }
0x8a: {  	v15 =	vtrunc.f32 v15;
	v17 =	vcvt.f32.s32 v4;
	v4 =	vshra.s32 v10, $0x5;
	v10 =	vld [tilespmem:s18+$0x3140]  }
0x8b: {  	v9 =	vmul.f32 $3.333333430e-01, v9;
	v15 =	vcvt.f32.s32 v15  }
0x8c: {  	v18 =	vcvt.s32.f32 v4;
	v20 =	vmul.f32 $3.333333430e-01, v5;
	v21 =	vmul.u32 $0xFFFFFFFD, v17  }
0x8d: {  	[tilespmem:s18+$0x9330] =	vst v8;
	v5 =	vshra.s32 v6, $0x5;
	v9 =	vtrunc.f32 v9;
	v8 =	vmul.u32 $0xFFFFFFFD, v15  }
0x8e: {  	v6 =	vtrunc.f32 v20;
	v18 =	vmul.f32 $3.333333430e-01, v18;
	v7 =	vadd.s32 v7, v21  }
0x8f: {  	v19 =	vld [tilespmem:s18+$0x3150];
	v8 =	vadd.s32 v13, v8;
	[tilespmem:s18+$0x9340] =	vst v10;
	v10 =	vtrunc.f32 v14;
	vm0 =	vgt.s32 v7, $0x2  }
0x90: {  	v22 =	vld [tilespmem:s18+$0x3160];
	v7 =	vmul.f32 $3.333333430e-01, v23;
	vm13 =	vgt.s32 v8, $0x2;
	v8 =	vcvt.s32.f32 v5  }
0x91: {  	v58 =	vld [tilespmem:s18+$0x3170];
	v6 =	vcvt.f32.s32 v6;
	v14 =	vsel vm0, $0x1, v1;
	v10 =	vcvt.f32.s32 v10  }
0x92: {  	v59 =	vld [tilespmem:s18+$0x3120];
	v13 =	vadd.s32 v17, v14;
	v7 =	vtrunc.f32 v7;
	v8 =	vmul.f32 $3.333333430e-01, v8  }
0x93: {  	v13 =	vshll.u32 v13, $0x4;
	v14 =	vcvt.f32.s32 v7;
	v7 =	vmul.u32 $0xFFFFFFFD, v10  }
0x94: {  	v60 =	vld [tilespmem:s18+$0x3110];
	[tilespmem:s18+$0x9350] =	vst v19;
	v61 =	vsel vm13, $0x1, v1;
	v13 =	vor.u32 v2, v13;
	v8 =	vtrunc.f32 v8  }
0x95: {  	v63 =	vld [tilespmem:s18+$0x3100];
	[tilespmem:s18+$0x9360] =	vst v22;
	v62 =	vmul.u32 $0xFFFFFFFD, v14;
	v12 =	vadd.s32 v12, v7;
	v7 =	vcvt.f32.s32 v9  }
0x96: {  	[tilespmem:s18+$0x9370] =	vst v58;
	v9 =	vadd.s32 v15, v61;
	v15 =	vmul.u32 $0xFFFFFFFD, v6;
	vm14 =	vgt.s32 v12, $0x2  }
0x97: {  	[tilespmem:s18+$0x9320] =	vst v59;
	v9 =	vshll.u32 v9, $0x4;
	v11 =	vadd.s32 v11, v62;
	v12 =	vsel vm14, $0x1, v1  }
0x98: {  	[tilespmem:s18+$0x6230] =	vst v13;
	v13 =	vor.u32 v2, v9;
	v9 =	vadd.s32 v10, v12;
	v10 =	vtrunc.f32 v18  }
0x99: {  	[tilespmem:s18+$0x9310] =	vst v60;
	vm15 =	vgt.s32 v11, $0x2;
	v11 =	vmul.u32 $0xFFFFFFFD, v7;
	v12 =	vshll.u32 v9, $0x4  }
0x9a: {  	[tilespmem:s18+$0x9300] =	vst v63;
	v9 =	vcvt.f32.s32 v8;
	v8 =	vcvt.f32.s32 v10;
	v10 =	vsel vm15, $0x1, v1  }
0x9b: {  	s19 =	simm.s32 $0x200;
	p0 =	por $0x1, $0x1;
	[tilespmem:s18+$0x6240] =	vst v13;
	v13 =	vor.u32 v2, v12;
	v10 =	vadd.s32 v14, v10;
	v14 =	vadd.s32 v16, v15  }
0x9c: {  	s21 =	simm.s32 $0x400;
	s22 =	simm.s32 $0x1;
	s20 =	simm.s32 @!p0 $0x1;
	v12 =	vmul.u32 $0xFFFFFFFD, v9;
	[tilespmem:s18+$0x6210] =	vst v13;
	v13 =	vmul.u32 $0xFFFFFFFD, v8;
	v10 =	vshll.u32 v10, $0x4  }
.LBB2_5:
0x9d: {  	s22 =	sadd.s32 $0x1, s22;
	v3 =	vadd.s32 v3, v11;
	s23 =	smov.u32 s21;
	s21 =	sadd.s32 $0x200, s21  }
0x9e: {  	vm1 =	vgt.s32 v14, $0x2;
	p1 =	sne.s32 s21, $0xC400;
	vm0 =	vgt.s32 v3, $0x2;
	v3 =	vadd.s32 v5, v12  }
0x9f: {  	v4 =	vadd.s32 v4, v13;
	v11 =	vsel vm1, $0x1, v1;
	v5 =	vsel vm0, $0x1, v1  }
0xa0: {  	vm0 =	vgt.s32 v4, $0x2;
	v4 =	vadd.s32 v6, v11;
	v5 =	vadd.s32 v7, v5  }
0xa1: {  	vm1 =	vgt.s32 v3, $0x2;
	v3 =	vshll.u32 v4, $0x4;
	v5 =	vshll.u32 v5, $0x4  }
0xa2: {  	v3 =	vor.u32 v2, v3;
	v4 =	vor.u32 v2, v5;
	v5 =	vsel vm1, $0x1, v1  }
0xa3: {  	[tilespmem:s18+$0x6200] =	vst v4;
	v4 =	vadd.s32 v9, v5;
	v5 =	vsel vm0, $0x1, v1  }
0xa4: {  	v6 =	vor.u32 v2, v10;
	v4 =	vshll.u32 v4, $0x4;
	v5 =	vadd.s32 v8, v5;
	[tilespmem:s18+$0x6270] =	vst v3  }
0xa5: {  	v3 =	vor.u32 v2, v4;
	v4 =	vshll.u32 v5, $0x4;
	[tilespmem:s18+$0x6260] =	vst v6  }
0xa6: {  	[tilespmem:s18+$0x6220] =	vst v3;
	v3 =	vor.u32 v2, v4  }
0xa7: {  	s24 =	sadd.s32 $0x6200, s18;
	s25 =	sadd.s32 $0x9300, s18;
	[tilespmem:s18+$0x6250] =	vst v3  }
0xa8: {  	[spmem:s2] =	stream.indirect.scatter.add.f32 [tilespmem:s25], [sflag:$0x1], $0x1, s24, s11, $0xb8;
	[tilespmem:$0x1C540] =	vst v63  }
0xa9: {  	_ =	swait.ge @!p0 [sflag:s20], $0x80  }
0xaa: {  	[sflag:s20] =	ssyncset.done @!p0 $0x0  }
0xab: {  	s18 =	sshra.s32 s19, $0x2;
	s19 =	smov.u32 s23;
	[sflag:s20] =	ssyncadd.s32 @!p0 $0xFFFFFF80  }
0xac: {  	v3 =	vld [tilespmem:s18+$0x10]  }
0xad: {  	v4 =	vld [tilespmem:s18+$0x30]  }
0xae: {  	v5 =	vld [tilespmem:s18+$0x40]  }
0xaf: {  	v6 =	vld [tilespmem:s18+$0x0]  }
0xb0: {  	v7 =	vld [tilespmem:s18+$0x60]  }
0xb1: {  	p0 =	slt.u32 s22, $0x8;
	v8 =	vld [tilespmem:s18+$0x20]  }
0xb2: {  	s20 =	simm.s32 @!p0 $0x1;
	v9 =	vshra.s32 v4, $0x5;
	v4 =	vld [tilespmem:s18+$0x70]  }
0xb3: {  	v10 =	vshra.s32 v3, $0x5;
	v11 =	vcvt.s32.f32 v9;
	v12 =	vshra.s32 v5, $0x5;
	v13 =	vld [tilespmem:s18+$0x50]  }
0xb4: {  	v3 =	vshra.s32 v6, $0x5;
	v6 =	vld [tilespmem:s18+$0x3130];
	v14 =	vcvt.s32.f32 v12  }
0xb5: {  	v15 =	vcvt.s32.f32 v3;
	v11 =	vmul.f32 $3.333333430e-01, v11;
	v16 =	vld [tilespmem:s18+$0x3140];
	v17 =	vshra.s32 v7, $0x5  }
0xb6: {  	v7 =	vcvt.s32.f32 v10;
	v5 =	vshra.s32 v8, $0x5;
	v8 =	vmul.f32 $3.333333430e-01, v14;
	v14 =	vld [tilespmem:s18+$0x3150]  }
0xb7: {  	v11 =	vtrunc.f32 v11;
	v18 =	vld [tilespmem:s18+$0x3160];
	v19 =	vshra.s32 v4, $0x5  }
0xb8: {  	v11 =	vcvt.f32.s32 v11;
	v4 =	vshra.s32 v13, $0x5;
	v13 =	vcvt.s32.f32 v19;
	v20 =	vld [tilespmem:s18+$0x3170]  }
0xb9: {  	[tilespmem:s18+$0x9330] =	vst v6;
	v6 =	vtrunc.f32 v8;
	v8 =	vcvt.s32.f32 v4  }
0xba: {  	v21 =	vcvt.f32.s32 v6;
	[tilespmem:s18+$0x9340] =	vst v16;
	v6 =	vmul.f32 $3.333333430e-01, v13  }
0xbb: {  	v13 =	vmul.f32 $3.333333430e-01, v15;
	v15 =	vmul.u32 $0xFFFFFFFD, v11;
	[tilespmem:s18+$0x9350] =	vst v14;
	v14 =	vcvt.s32.f32 v17  }
0xbc: {  	v7 =	vmul.f32 $3.333333430e-01, v7;
	v16 =	vmul.u32 $0xFFFFFFFD, v21;
	[tilespmem:s18+$0x9360] =	vst v18;
	v6 =	vtrunc.f32 v6  }
0xbd: {  	v8 =	vmul.f32 $3.333333430e-01, v8;
	v9 =	vadd.s32 v9, v15;
	v6 =	vcvt.f32.s32 v6;
	[tilespmem:s18+$0x9370] =	vst v20  }
0xbe: {  	v7 =	vtrunc.f32 v7;
	vm0 =	vgt.s32 v9, $0x2;
	v9 =	vmul.f32 $3.333333430e-01, v14  }
0xbf: {  	v13 =	vtrunc.f32 v13;
	v14 =	vsel vm0, $0x1, v1;
	v12 =	vadd.s32 v12, v16  }
0xc0: {  	v15 =	vcvt.f32.s32 v7;
	v7 =	vadd.s32 v11, v14;
	v9 =	vtrunc.f32 v9;
	v16 =	vld [tilespmem:s18+$0x3120]  }
0xc1: {  	vm0 =	vgt.s32 v12, $0x2;
	v7 =	vshll.u32 v7, $0x4;
	v14 =	vcvt.f32.s32 v9;
	v11 =	vld [tilespmem:s18+$0x3110]  }
0xc2: {  	v18 =	vcvt.s32.f32 v5;
	v12 =	vmul.u32 $0xFFFFFFFD, v15;
	v20 =	vor.u32 v2, v7;
	v9 =	vld [tilespmem:s18+$0x3100]  }
0xc3: {  	v7 =	vcvt.f32.s32 v13;
	v13 =	vsel vm0, $0x1, v1;
	[tilespmem:s18+$0x6230] =	vst v20;
	v20 =	vmul.u32 $0xFFFFFFFD, v14  }
0xc4: {  	v10 =	vadd.s32 v10, v12;
	v12 =	vmul.f32 $3.333333430e-01, v18;
	v13 =	vadd.s32 v21, v13  }
0xc5: {  	vm0 =	vgt.s32 v10, $0x2;
	v10 =	vshll.u32 v13, $0x4;
	[tilespmem:s18+$0x9320] =	vst v16;
	v13 =	vadd.s32 v17, v20  }
0xc6: {  	v12 =	vtrunc.f32 v12;
	v10 =	vor.u32 v2, v10;
	v16 =	vsel vm0, $0x1, v1;
	[tilespmem:s18+$0x9310] =	vst v11  }
.Ltmp1:
0xc7: {  	v8 =	vtrunc.f32 v8;
	vm0 =	vgt.s32 v13, $0x2;
	[tilespmem:s18+$0x9300] =	vst v9;
	v9 =	vadd.s32 v15, v16;
	(pc) =	sbr.rel @p1 .LBB2_5-.Ltmp1, $4  }
0xc8: {  	v11 =	vmul.u32 $0xFFFFFFFD, v7;
	v13 =	vshll.u32 v9, $0x4;
	v9 =	vcvt.f32.s32 v12;
	[tilespmem:s18+$0x6240] =	vst v10  }
0xc9: {  	v8 =	vcvt.f32.s32 v8;
	v15 =	vmul.u32 $0xFFFFFFFD, v6;
	v10 =	vsel vm0, $0x1, v1  }
0xca: {  	v13 =	vor.u32 v2, v13;
	v10 =	vadd.s32 v14, v10;
	v12 =	vmul.u32 $0xFFFFFFFD, v9  }
0xcb: {  	v14 =	vadd.s32 v19, v15;
	v10 =	vshll.u32 v10, $0x4;
	[tilespmem:s18+$0x6210] =	vst v13;
	v13 =	vmul.u32 $0xFFFFFFFD, v8  }
0xcc: {  	v3 =	vadd.s32 v3, v11;
	vm1 =	vgt.s32 v14, $0x2;
	v21 =	vor.u32 v2, v10  }
0xcd: {  	vm0 =	vgt.s32 v3, $0x2;
	v3 =	vadd.s32 v5, v12;
	v4 =	vadd.s32 v4, v13  }
0xce: {  	v15 =	vsel vm1, $0x1, v1;
	v14 =	vsel vm0, $0x1, v1;
	vm6 =	vgt.s32 v4, $0x2  }
0xcf: {  	v16 =	vadd.s32 v6, v15;
	vm7 =	vgt.s32 v3, $0x2;
	v5 =	vadd.s32 v7, v14  }
0xd0: {  	v3 =	vshll.u32 v16, $0x4;
	v18 =	vsel vm7, $0x1, v1;
	v20 =	vsel vm6, $0x1, v1  }
0xd1: {  	[tilespmem:s18+$0x6260] =	vst v21;
	v5 =	vshll.u32 v5, $0x4;
	v3 =	vor.u32 v2, v3;
	v19 =	vadd.s32 v9, v18  }
0xd2: {  	v17 =	vor.u32 v2, v5;
	v4 =	vshll.u32 v19, $0x4;
	v5 =	vadd.s32 v8, v20;
	[tilespmem:s18+$0x6270] =	vst v3  }
0xd3: {  	[tilespmem:s18+$0x6200] =	vst v17;
	v3 =	vor.u32 v2, v4;
	v22 =	vshll.u32 v5, $0x4  }
0xd4: {  	[tilespmem:s18+$0x6220] =	vst v3;
	v3 =	vor.u32 v2, v22  }
0xd5: {  	s21 =	sadd.s32 $0x6200, s18;
	s22 =	sadd.s32 $0x9300, s18;
	[tilespmem:s18+$0x6250] =	vst v3  }
0xd6: {  	[spmem:s2] =	stream.indirect.scatter.add.f32 [tilespmem:s22], [sflag:$0x1], $0x1, s21, s11, $0xb8;
	[tilespmem:$0x1C540] =	vst v63  }
0xd7: {  	_ =	swait.ge @!p0 [sflag:s20], $0x80  }
0xd8: {  	[sflag:s20] =	ssyncset.done @!p0 $0x0  }
0xd9: {  	s21 =	sshra.s32 s19, $0x2;
	[sflag:s20] =	ssyncadd.s32 @!p0 $0xFFFFFF80  }
0xda: {  	v3 =	vld [tilespmem:s21+$0x30]  }
0xdb: {  	v23 =	vld [tilespmem:s21+$0x10]  }
0xdc: {  	v24 =	vld [tilespmem:s21+$0x40]  }
0xdd: {  	v25 =	vld [tilespmem:s21+$0x0]  }
0xde: {  	v26 =	vld [tilespmem:s21+$0x70]  }
0xdf: {  	v28 =	vld [tilespmem:s21+$0x50]  }
0xe0: {  	v29 =	vld [tilespmem:s21+$0x60]  }
0xe1: {  	v30 =	vld [tilespmem:s21+$0x20]  }
0xe2: {  	v3 =	vshra.s32 v3, $0x5;
	v4 =	vshra.s32 v23, $0x5  }
0xe3: {  	v5 =	vshra.s32 v24, $0x5;
	v6 =	vshra.s32 v25, $0x5;
	v7 =	vshra.s32 v26, $0x5  }
0xe4: {  	v9 =	vshra.s32 v28, $0x5;
	v27 =	vcvt.s32.f32 v3;
	v31 =	vcvt.s32.f32 v5  }
0xe5: {  	v10 =	vshra.s32 v29, $0x5;
	v32 =	vcvt.s32.f32 v6;
	v33 =	vcvt.s32.f32 v4  }
0xe6: {  	v11 =	vshra.s32 v30, $0x5;
	v15 =	vcvt.s32.f32 v7;
	v16 =	vcvt.s32.f32 v9  }
0xe7: {  	v18 =	vcvt.s32.f32 v10;
	v39 =	vcvt.s32.f32 v11  }
0xe8: {  	v8 =	vmul.f32 $3.333333430e-01, v27;
	v12 =	vmul.f32 $3.333333430e-01, v31  }
0xe9: {  	v15 =	vmul.f32 $3.333333430e-01, v15;
	v14 =	vmul.f32 $3.333333430e-01, v33  }
0xea: {  	v13 =	vmul.f32 $3.333333430e-01, v32;
	v34 =	vmul.f32 $3.333333430e-01, v18  }
0xeb: {  	v8 =	vtrunc.f32 v8;
	v12 =	vtrunc.f32 v12  }
0xec: {  	v15 =	vtrunc.f32 v15;
	v13 =	vtrunc.f32 v13  }
0xed: {  	v8 =	vcvt.f32.s32 v8;
	v12 =	vcvt.f32.s32 v12  }
0xee: {  	v35 =	vcvt.f32.s32 v15;
	v13 =	vcvt.f32.s32 v13  }
0xef: {  	v16 =	vmul.f32 $3.333333430e-01, v16;
	v14 =	vtrunc.f32 v14;
	v17 =	vmul.u32 $0xFFFFFFFD, v8  }
0xf0: {  	v19 =	vmul.u32 $0xFFFFFFFD, v12;
	v49 =	vmul.u32 $0xFFFFFFFD, v13;
	v52 =	vmul.u32 $0xFFFFFFFD, v35  }
0xf1: {  	v47 =	vtrunc.f32 v16;
	v3 =	vadd.s32 v3, v17;
	v17 =	vtrunc.f32 v34  }
0xf2: {  	v38 =	vld [tilespmem:s21+$0x3130];
	v5 =	vadd.s32 v5, v19;
	v6 =	vadd.s32 v6, v49;
	v7 =	vadd.s32 v7, v52  }
0xf3: {  	v40 =	vld [tilespmem:s21+$0x3140];
	vm8 =	vgt.s32 v3, $0x2;
	v3 =	vcvt.f32.s32 v14;
	v17 =	vcvt.f32.s32 v17  }
0xf4: {  	v41 =	vld [tilespmem:s21+$0x3150];
	vm9 =	vgt.s32 v5, $0x2;
	v5 =	vmul.f32 $3.333333430e-01, v39;
	vm12 =	vgt.s32 v6, $0x2  }
0xf5: {  	v42 =	vld [tilespmem:s21+$0x3160];
	vm13 =	vgt.s32 v7, $0x2;
	v36 =	vsel vm8, $0x1, v1;
	v20 =	vsel vm9, $0x1, v1  }
0xf6: {  	v43 =	vld [tilespmem:s21+$0x3170];
	v56 =	vsel vm12, $0x1, v1;
	v57 =	vsel vm13, $0x1, v1;
	v37 =	vmul.u32 $0xFFFFFFFD, v3  }
0xf7: {  	v46 =	vld [tilespmem:s21+$0x3120];
	[tilespmem:s21+$0x9330] =	vst v38;
	v8 =	vadd.s32 v8, v36;
	v21 =	vmul.u32 $0xFFFFFFFD, v17;
	v12 =	vadd.s32 v12, v20  }
0xf8: {  	v48 =	vld [tilespmem:s21+$0x3110];
	[tilespmem:s21+$0x9340] =	vst v40;
	v5 =	vtrunc.f32 v5;
	v7 =	vadd.s32 v13, v56;
	v58 =	vadd.s32 v35, v57  }
0xf9: {  	v50 =	vld [tilespmem:s21+$0x3100];
	[tilespmem:s21+$0x9350] =	vst v41;
	v8 =	vshll.u32 v8, $0x4;
	v44 =	vshll.u32 v12, $0x4;
	v5 =	vcvt.f32.s32 v5  }
0xfa: {  	[tilespmem:s21+$0x9360] =	vst v42;
	v12 =	vcvt.f32.s32 v47;
	v7 =	vshll.u32 v7, $0x4;
	v4 =	vadd.s32 v4, v37  }
0xfb: {  	[tilespmem:s21+$0x9370] =	vst v43;
	v8 =	vor.u32 v2, v8;
	v10 =	vadd.s32 v10, v21;
	v59 =	vor.u32 v2, v7  }
0xfc: {  	[tilespmem:s21+$0x9320] =	vst v46;
	vm10 =	vgt.s32 v4, $0x2;
	vm11 =	vgt.s32 v10, $0x2;
	v53 =	vmul.u32 $0xFFFFFFFD, v5  }
0xfd: {  	[tilespmem:s21+$0x9310] =	vst v48;
	v54 =	vmul.u32 $0xFFFFFFFD, v12;
	v45 =	vsel vm10, $0x1, v1;
	v51 =	vsel vm11, $0x1, v1  }
0xfe: {  	[tilespmem:s21+$0x9300] =	vst v50;
	v4 =	vor.u32 v2, v44;
	v3 =	vadd.s32 v3, v45;
	v17 =	vadd.s32 v17, v51  }
0xff: {  	[tilespmem:s21+$0x6230] =	vst v8;
	v55 =	vadd.s32 v11, v53;
	v8 =	vadd.s32 v9, v54;
	v3 =	vshll.u32 v3, $0x4  }
0x100: {  	[tilespmem:s21+$0x6200] =	vst v59;
	v17 =	vshll.u32 v17, $0x4;
	vm14 =	vgt.s32 v8, $0x2;
	vm15 =	vgt.s32 v55, $0x2  }
0x101: {  	[tilespmem:s21+$0x6240] =	vst v4;
	v3 =	vor.u32 v2, v3;
	v6 =	vsel vm15, $0x1, v1;
	v61 =	vsel vm14, $0x1, v1  }
0x102: {  	v62 =	vor.u32 v2, v17;
	[tilespmem:s21+$0x6210] =	vst v3;
	v3 =	vshll.u32 v58, $0x4;
	v60 =	vadd.s32 v5, v6  }
0x103: {  	v5 =	vadd.s32 v12, v61;
	[tilespmem:s21+$0x6260] =	vst v62;
	v3 =	vor.u32 v2, v3;
	v4 =	vshll.u32 v60, $0x4  }
0x104: {  	v63 =	vshll.u32 v5, $0x4;
	[tilespmem:s21+$0x6270] =	vst v3;
	v3 =	vor.u32 v2, v4  }
0x105: {  	[tilespmem:s21+$0x6220] =	vst v3;
	v3 =	vor.u32 v2, v63  }
0x106: {  	s19 =	sadd.s32 $0x6200, s21;
	s22 =	sadd.s32 $0x9300, s21;
	[tilespmem:s21+$0x6250] =	vst v3  }
0x107: {  	[spmem:s2] =	stream.indirect.scatter.add.f32 [tilespmem:s22], [sflag:$0x1], $0x1, s19, s11, $0xb8;
	[tilespmem:$0x1C540] =	vst v63  }
0x108: {  	_ =	swait.ge [sflag:s13], $0x80  }
0x109: {  	[sflag:s13] =	ssyncset.done $0x0  }
0x10a: {  	[sflag:s13] =	ssyncadd.s32 $0xFFFFFF80  }
0x10b: {  	_ =	swait.ge [sflag:s13], $0x80  }
0x10c: {  	[sflag:s13] =	ssyncset.done $0x0  }
0x10d: {  	[sflag:s13] =	ssyncadd.s32 $0xFFFFFF80  }
0x10e: {  	_ =	swait.ge [sflag:s13], $0x80  }
0x10f: {  	[sflag:s13] =	ssyncset.done $0x0  }
0x110: {  	[sflag:s13] =	ssyncadd.s32 $0xFFFFFF80  }
0x111: {  	_ =	swait.ge [sflag:s13], $0x80  }
0x112: {  	[sflag:s13] =	ssyncset.done $0x0  }
0x113: {  	[sflag:s13] =	ssyncadd.s32 $0xFFFFFF80  }
0x114: {  	s18 =	sadd.s32 $0x1, s17;
	p0 =	seq.s32 s17, $0x17;
	_ =	swait.ge [sflag:s13], $0x80  }
0x115: {  	s19 =	sshll.u32 @!p0 s18, $0x1;
	[sflag:s13] =	ssyncset.done $0x0  }
0x116: {  	s20 =	smulhi.u32 @!p0 $0xAAAAAAAB, s18;
	s19 =	sor.u32 @!p0 s5, s19;
	[sflag:s13] =	ssyncadd.s32 $0xFFFFFF80  }
0x117: {  	s24 =	sshll.u32 s17, $0x1;
	s21 =	smulhi.u32 @!p0 $0x2AAAAAAB, s19;
	_ =	swait.ge [sflag:s13], $0x80  }
0x118: {  	s23 =	smul.u32 $0xAB, s17;
	s17 =	sor.u32 s5, s24;
	[sflag:s13] =	ssyncset.done $0x0  }
0x119: {  	s20 =	sshrl.u32 @!p0 s20, $0x1;
	s21 =	smul.u32 @!p0 $0x6, s21;
	[sflag:s13] =	ssyncadd.s32 $0xFFFFFF80  }
0x11a: {  	s24 =	simm.s32 @!p0 $0x0;
	s20 =	smul.u32 @!p0 $0x126000, s20;
	_ =	swait.ge [sflag:s13], $0x80  }
0x11b: {  	s25 =	smulhi.u32 $0x2AAAAAAB, s17;
	s19 =	ssub.s32 @!p0 s19, s21;
	[sflag:s13] =	ssyncset.done $0x0  }
0x11c: {  	s20 =	sadd.s32 @!p0 s7, s20;
	s19 =	sshll.u32 @!p0 s19, $0x4;
	[sflag:s13] =	ssyncadd.s32 $0xFFFFFF80  }
0x11d: {  	s22 =	simm.s32 @!p0 $0x10;
	s19 =	sor.u32 @!p0 s20, s19;
	_ =	swait.ge [sflag:s13], $0x80  }
0x11e: {  	s20 =	sshrl.u32 s23, $0x9;
	s19 =	sshrl.u32 @!p0 s19, $0x3;
	[sflag:s13] =	ssyncset.done $0x0  }
0x11f: {  	s23 =	simm.s32 @!p0 $0x60;
	s21 =	sadd.s32 @!p0 s8, s19;
	[sflag:s13] =	ssyncadd.s32 $0xFFFFFF80  }
0x120: {  	[tilespmem:s24], [sflag:$0x2] =	stream.strided.gather @!p0 [hbm4b:s21+s22], $0x3100, s23, s22, $0x38;
	[tilespmem:$0x1C540] =	vst v63  }
0x121: {  	s25 =	smul.u32 $0x6, s25;
	s19 =	sadd.s32 @!p0 s6, s19;
	s24 =	simm.s32 @!p0 $0x3100  }
0x122: {  	[tilespmem:s24], [sflag:$0x2] =	stream.strided.gather @!p0 [hbm4b:s19+s22], $0x3100, s23, s22, $0x38;
	[tilespmem:$0x1C540] =	vst v63  }
0x123: {  	s17 =	ssub.s32 s17, s25;
	s24 =	sand.u32 $0x7F, s20  }
0x124: {  	s17 =	sshll.u32 s17, $0x4;
	[bflag:$0x0] =	sbarrier.arrive $0xFFFF;
	s19 =	smul.u32 $0x498000, s24  }
0x125: {  	[tilespmem:s14], [sflag:$0x3] =	stream.linear.gather [spmem:s12], $0xC40, $0x38;
	[tilespmem:$0x1C540] =	vst v63  }
0x126: {  	s20 =	simm.s32 $0x0;
	p0 =	por $0x0, $0x0;
	s17 =	sor.u32 s17, s19  }
.LBB2_7:
0x127: {  	s21 =	sand.u32 $0x1, s20;
	p1 =	seq.s32 s20, $0xF;
	s19 =	sadd.s32 $0x1, s20  }
0x128: {  	s22 =	sxor.u32 @!p1 $0x1, s21;
	s23 =	smul.u32 @!p1 $0x3100, s19  }
0x129: {  	s22 =	smul.u32 @!p1 $0x3100, s22;
	_ =	sdelay $0x1  }
0x12a: {  	s23 =	sshra.s32 @!p1 s23, $0x2;
	s22 =	sshrl.u32 @!p1 s22, $0x2  }
0x12b: {  	s24 =	smul.u32 $0x3100, s20;
	s23 =	sadd.s32 @!p1 s23, s12;
	s22 =	sadd.s32 @!p1 $0xC400, s22  }
0x12c: {  	[tilespmem:s22], [sflag:$0x3] =	stream.linear.gather @!p1 [spmem:s23], $0xC40, $0x38;
	[tilespmem:$0x1C540] =	vst v63  }
0x12d: {  	s23 =	simm.s32 $0x1;
	_ =	swait.ge [sflag:s15], $0xC40  }
0x12e: {  	s22 =	sshra.s32 s24, $0x2;
	s23 =	simm.s32 @!p0 $0x0;
	[sflag:s15] =	ssyncset.done $0x0  }
0x12f: {  	s22 =	sadd.s32 s22, s12;
	s25 =	smul.u32 $0x3100, s23;
	[sflag:s15] =	ssyncadd.s32 $0xFFFFF3C0  }
0x130: {  	[spmem:s22] =	stream.linear.scatter [tilespmem:s4], [sflag:$0x5], $0xC40, $0x38;
	[tilespmem:$0x1C540] =	vst v63  }
0x131: {  	s22 =	sshrl.u32 s25, $0x2  }
0x132: {  	s24 =	sadd.s32 $0xDC80, s22;
	s22 =	sadd.s32 $0xC400, s22  }
0x133: {  	p1 =	slt.u32 s20, $0x2;
	v4 =	vmov s22  }
0x134: {  	s23 =	simm.s32 @!p1 $0x4  }
0x135: {  	_ =	swait.ge @!p1 [sflag:s23], $0xC40  }
0x136: {  	[sflag:s23] =	ssyncset.done @!p1 $0x0  }
0x137: {  	v3 =	vmov s24;
	s22 =	simm.s32 $0x0;
	[sflag:s23] =	ssyncadd.s32 @!p1 $0xFFFFF3C0;
	s23 =	simm.s32 $0x40  }
.LBB2_8:
0x138: {  	p1 =	sne.s32 s23, $0x30C0;
	v5 =	vld.idx.msk [tilespmem:v4+s22+$0x0 ss:$0x1], $0xffff;
	_ =	sdelay $0x1  }
.Ltmp2:
0x139: {  	(pc) =	sbr.rel @p1 .LBB2_8-.Ltmp2, $2  }
0x13a: {  	_ =	sdelay $0x2  }
0x13b: {  	[tilespmem:v3+s22+$0x0 ss:$0x1] =	vst.idx.msk $0xffff, v5;
	s22 =	sshra.s32 s23, $0x2;
	s23 =	sadd.s32 $0x40, s23  }
0x13c: {  	_ =	sdelay $0x1  }
0x13d: {  	s20 =	smul.u32 $0xC4, s20;
	_ =	sdelay $0x1  }
0x13e: {  	v4 =	vld.idx.msk [tilespmem:v4+s22+$0x0 ss:$0x1], $0xffff;
	s20 =	sadd.s32 s9, s20  }
0x13f: {  	s20 =	smul.u32 $0x60, s20  }
0x140: {  	s21 =	smul.u32 $0x3100, s21;
	p1 =	sne.s32 s19, $0x10  }
.Ltmp3:
0x141: {  	s20 =	sadd.s32 s17, s20;
	(pc) =	sbr.rel @p1 .LBB2_7-.Ltmp3, $4  }
0x142: {  	s21 =	sshrl.u32 s21, $0x2;
	s20 =	sshrl.u32 s20, $0x3  }
0x143: {  	s21 =	sadd.s32 $0xDC80, s21;
	[tilespmem:v3+s22+$0x0 ss:$0x1] =	vst.idx.msk $0xffff, v4;
	s20 =	sadd.s32 s1, s20  }
0x144: {  	[hbm4b:s20+s30] =	stream.strided.scatter [tilespmem:s21], [sflag:$0x4], $0xC40, s31, s30, $0x38;
	[tilespmem:$0x1C540] =	vst v63  }
0x145: {  	p0 =	por !p0, !p0;
	s20 =	smov.u32 s19  }
0x146: {  	_ =	swait.ge [sflag:s16], $0xC40  }
0x147: {  	[sflag:s16] =	ssyncset.done $0x0  }
0x148: {  	[sflag:s16] =	ssyncadd.s32 $0xFFFFF3C0  }
0x149: {  	_ =	swait.ge [sflag:s16], $0xC40  }
0x14a: {  	[sflag:s16] =	ssyncset.done $0x0  }
0x14b: {  	[sflag:s16] =	ssyncadd.s32 $0xFFFFF3C0  }
0x14c: {  	_ =	swait.ge [sflag:s0], $0xC40  }
0x14d: {  	[sflag:s0] =	ssyncset.done $0x0  }
0x14e: {  	[sflag:s0] =	ssyncadd.s32 $0xFFFFF3C0  }
0x14f: {  	_ =	swait.ge [sflag:s0], $0xC40  }
0x150: {  	[sflag:s0] =	ssyncset.done $0x0  }
0x151: {  	[sflag:s0] =	ssyncadd.s32 $0xFFFFF3C0  }
0x152: {  	_ =	swait.ge [sflag:s0], $0xC40  }
0x153: {  	[sflag:s0] =	ssyncset.done $0x0  }
0x154: {  	[sflag:s0] =	ssyncadd.s32 $0xFFFFF3C0  }
0x155: {  	_ =	swait.ge [sflag:s0], $0xC40  }
0x156: {  	[sflag:s0] =	ssyncset.done $0x0  }
0x157: {  	[sflag:s0] =	ssyncadd.s32 $0xFFFFF3C0  }
0x158: {  	_ =	swait.ge [sflag:s0], $0xC40  }
0x159: {  	[sflag:s0] =	ssyncset.done $0x0  }
0x15a: {  	[sflag:s0] =	ssyncadd.s32 $0xFFFFF3C0  }
0x15b: {  	_ =	swait.ge [sflag:s0], $0xC40  }
0x15c: {  	[sflag:s0] =	ssyncset.done $0x0  }
0x15d: {  	[sflag:s0] =	ssyncadd.s32 $0xFFFFF3C0  }
0x15e: {  	_ =	swait.ge [sflag:s0], $0xC40  }
0x15f: {  	[sflag:s0] =	ssyncset.done $0x0  }
0x160: {  	[sflag:s0] =	ssyncadd.s32 $0xFFFFF3C0  }
0x161: {  	_ =	swait.ge [sflag:s0], $0xC40  }
0x162: {  	[sflag:s0] =	ssyncset.done $0x0  }
0x163: {  	[sflag:s0] =	ssyncadd.s32 $0xFFFFF3C0  }
0x164: {  	_ =	swait.ge [sflag:s0], $0xC40  }
0x165: {  	[sflag:s0] =	ssyncset.done $0x0  }
0x166: {  	[sflag:s0] =	ssyncadd.s32 $0xFFFFF3C0  }
0x167: {  	_ =	swait.ge [sflag:s0], $0xC40  }
0x168: {  	[sflag:s0] =	ssyncset.done $0x0  }
0x169: {  	[sflag:s0] =	ssyncadd.s32 $0xFFFFF3C0  }
0x16a: {  	_ =	swait.ge [sflag:s0], $0xC40  }
0x16b: {  	[sflag:s0] =	ssyncset.done $0x0  }
0x16c: {  	[sflag:s0] =	ssyncadd.s32 $0xFFFFF3C0  }
0x16d: {  	_ =	swait.ge [sflag:s0], $0xC40  }
0x16e: {  	[sflag:s0] =	ssyncset.done $0x0  }
0x16f: {  	[sflag:s0] =	ssyncadd.s32 $0xFFFFF3C0  }
0x170: {  	_ =	swait.ge [sflag:s0], $0xC40  }
0x171: {  	[sflag:s0] =	ssyncset.done $0x0  }
0x172: {  	[sflag:s0] =	ssyncadd.s32 $0xFFFFF3C0  }
0x173: {  	_ =	swait.ge [sflag:s0], $0xC40  }
0x174: {  	[sflag:s0] =	ssyncset.done $0x0  }
0x175: {  	[sflag:s0] =	ssyncadd.s32 $0xFFFFF3C0  }
0x176: {  	_ =	swait.ge [sflag:s0], $0xC40  }
0x177: {  	[sflag:s0] =	ssyncset.done $0x0  }
0x178: {  	p0 =	sne.s32 s18, $0x18;
	[sflag:s0] =	ssyncadd.s32 $0xFFFFF3C0  }
.Ltmp4:
0x179: {  	_ =	swait.ge [sflag:s0], $0xC40;
	(pc) =	sbr.rel @p0 .LBB2_4-.Ltmp4, $4  }
0x17a: {  	[sflag:s0] =	ssyncset.done $0x0  }
0x17b: {  	[sflag:s0] =	ssyncadd.s32 $0xFFFFF3C0  }
0x17c: {  	[bflag:$0x0] =	sbarrier.arrive $0xFFFF  }
0x17d: {  	s17 =	smov.u32 s18  }
0x17e: {  	s3 =	sadd.s32 $0x1, s3;
	s17 =	rddreg [dreg:$0x6]  }
0x17f: {  	p0 =	sne.s32 s3, s17  }
.Ltmp5:
0x180: {  	_ = 	snop;
	(pc) =	sbr.rel @p0 .LBB2_1-.Ltmp5, $1  }
0x181: {  	_ =	sdelay $0x3  }
0x182: {  	_ =	sfence.sel $0x180000  }
0x183: {  	[bflag:$0x0] =	sbarrier.arrive $0xFFFF  }
0x184: {  	_ =	strace $0x90000047  }
0x185: {  	s0 =	stileid.u32;
	[bflag:$0x2] =	sbarrier.arrive $0xFFFF  }
0x186: {  	p0 =	sne.s32 s0, $0x0;
	s0 =	rddreg [dreg:$0x3]  }
0x187: {  	s0 =	sadd.s32 @!p0 $0x100000, s0  }
0x188: {  	[sflag:s0] =	ssyncadd.tile.s32 @!p0 $0x1;
	_ =	shalt  }
.Lfunc_end2:
_tile_overlayer_lowered:
.L_overlay_start_2:
0x189: {  	(tag) =	ssettag $0x2  }
0x18a: {  	s0 =	rddreg [dreg:$0x0];
	s2 =	stileid.u32  }
0x18b: {  	s1 =	rddreg [dreg:$0x1];
	p0 =	sne.s32 s2, $0x0  }
0x18c: {  	s3 =	rddreg [dreg:$0x2];
	[bflag:$0x3] =	sbarrier.arrive $0xFFFF;
	s2 =	simm.s32 @!p0 $0x1C06  }
0x18d: {  	[timem:s3], [sflag:s2] =	dma.local @!p0 [hbm:s0], s1  }
0x18e: {  	s0 =	simm.s32 @!p0 $0x6  }
0x18f: {  	_ =	swait.ge @!p0 [sflag:s0], s1  }
0x190: {  	s1 =	ssub.s32 @!p0 $0x0, s1;
	[sflag:s0] =	ssyncset.done @!p0 $0x0  }
0x191: {  	[sflag:s0] =	ssyncadd.s32 @!p0 s1  }
0x192: {  	[bflag:$0x3] =	sbarrier.arrive $0xFFFF  }
0x193: {  	_ =	shalt  }

// kernel: sparse-core-data-format-call.cloned.1.call-start
scs
called_computation_lowered:
.L_overlay_start_0:
0x0: {  	s2 =	sld [smem:$0x3FD9]  }
0x1: {  	s3 =	sld [smem:$0x3FFE];
	_ =	sdelay $0x1  }
0x2: {  	s1 =	srdreg.scid  }
0x3: {  	s0 =	sand.u32 $0x1, s1  }
0x4: {  	s18 =	sshll.u32 s0, $0xA;
	s2 =	sadd.s32 s3, s2  }
0x5: {  	s2 =	sadd.s32 s2, s18  }
0x6: {  	[smem:$0x3FC6] =	sst s2  }
0x7: {  	_ = 	snop  }
0x8: {  	s2 =	sld [smem:$0x3FD0];
	(tm) =	ssettm $0x1  }
0x9: {  	s19 =	sld [smem:$0x3FFB];
	_ =	sdelay $0x3  }
0xa: {  	_ =	strace s19  }
0xb: {  	s3 =	sld [smem:$0x3FFC];
	_ =	sdelay $0x3  }
0xc: {  	_ =	strace s3  }
0xd: {  	s3 =	sld [smem:$0x3FFD];
	_ =	sdelay $0x3  }
0xe: {  	_ =	strace s3  }
0xf: {  	_ =	strace $0x8FFFFFFF  }
0x10: {  	s20 =	sld [smem:$0x3FDB];
	_ =	sdelay $0x1  }
0x11: {  	s4 =	simm.s32 $_scs_section_size  }
0x12: {  	s5 =	simm.s32 $_size__tile_overlayer_lowered;
	s6 =	simm.s32 $_tile_overlayer_lowered  }
0x13: {  	s23 =	simm.s32 $0x1BFF;
	s22 =	sshll.u32 s6, $0x1;
	s3 =	sadd.s32 s4, s20  }
0x14: {  	s7 =	simm.s32 $0x0;
	s21 =	sshll.u32 s5, $0x1;
	s5 =	sadd.s32 s22, s3  }
0x15: {  	[timem:s7], [sflag:s23] =	dma.local [hbm:s5], s21  }
0x16: {  	_ =	swait.ge [sflag:s23], s21  }
0x17: {  	s4 =	ssub.s32 $0x0, s21;
	[sflag:s23] =	ssyncset.done $0x0  }
0x18: {  	[sflag:s23] =	ssyncadd.s32 s4;
	_ =	sdelay $0x1  }
0x19: {  	s24 =	simm.s32 $0x1B8B  }
0x1a: {  	_ =	swait.ge [sflag:s24], $0x1  }
0x1b: {  	[sflag:s24] =	ssyncset.done $0x0  }
0x1c: {  	s26 =	simm.s32 $0x1B8E;
	s25 =	sld [smem:$0x3FFE];
	[sflag:s24] =	ssyncadd.s32 $0xFFFFFFFF  }
0x1d: {  	s27 =	simm.s32 $execute0_lowered;
	[smem:$0x3FD2] =	sst s26  }
0x1e: {  	s5 =	sshll.u32 s27, $0x1;
	_ =	strace $0x80000049;
	[dreg:$0x1] =	wrdreg $0xFFFFFFFF  }
0x1f: {  	s28 =	simm.s32 $_size_execute0_lowered;
	s3 =	sadd.s32 s3, s5;
	[dreg:$0x0] =	wrdreg $0x0  }
0x20: {  	s5 =	sshll.u32 s28, $0x1;
	[dreg:$0x2] =	wrdreg s3  }
0x21: {  	[dreg:$0x3] =	wrdreg s5  }
0x22: {  	[dreg:$0x4] =	wrdreg $0xC0  }
0x23: {  	_ =	task [dreg:s7], $0x5FFFF  }
0x24: {  	[dreg:$0x1] =	wrdreg $0xFFFFFFFF  }
0x25: {  	[dreg:$0x0] =	wrdreg $0x60  }
0x26: {  	[dreg:$0x2] =	wrdreg s25  }
0x27: {  	[dreg:$0x3] =	wrdreg s2  }
0x28: {  	[dreg:$0x4] =	wrdreg $0x9  }
0x29: {  	_ =	task.clear_ibuf [dreg:s7], $0x5FFFF;
	_ =	strace $0x90000049  }
0x2a: {  	s29 =	simm.s32 $0x9;
	_ =	strace $0x8000004B  }
0x2b: {  	_ =	swait.ge [sflag:s29], $0x1  }
0x2c: {  	[sflag:s29] =	ssyncadd.s32 $0xFFFFFFFF  }
0x2d: {  	_ =	strace $0x9000004B  }
0x2e: {  	_ =	sfence  }
0x2f: {  	s30 =	sld [smem:$0x0];
	_ =	sdelay $0x2  }
0x30: {  	s31 =	sshll.u32 s1, $0xD;
	s1 =	sshrl.u32 s1, $0x2  }
0x31: {  	s3 =	sand.u32 $0x4000, s31;
	s1 =	sadd.s32 s1, s30  }
0x32: {  	s0 =	sor.u32 s3, s0;
	s1 =	sshll.u32 s1, $0x11  }
0x33: {  	s0 =	sor.u32 s1, s0  }
0x34: {  	s0 =	sadd.s32 $0x8F2B, s0  }
0x35: {  	[sflag:s0] =	ssyncadd.remote.s32 $0x1  }
0x36: {  	_ =	sfence.sel $0xFFFF  }
0x37: {  	[dreg:$0x0] =	wrdreg $0xFFFFFFFF;
	(pc) =	sbr.abs _section_cstart, $3  }
0x38: {  	[dreg:$0x1] =	wrdreg $0xFFFFFFFF  }
0x39: {  	_ =	task.clear_ibuf [dreg:s7], $0x2FFFF;
	_ =	strace $0x9FFFFFFF  }
0x3a: {  	(tm) =	ssettm $0x7FFFFFFF  }
0x3b: {  	_ =	shalt  }
tec
execute0_lowered:
.L_overlay_start_1:
0x0: {  	(tag) =	ssettag $0x1  }
0x1: {  	s0 =	rddreg [dreg:$0x0]  }
0x2: {  	s1 =	srdreg.scid;
	_ =	strace $0x8000004A;
	s2 =	stileid.u32  }
0x3: {  	s30 =	simm.s32 $0x1;
	s31 =	simm.s32 $0x2;
	s15 =	simm.s32 $0x0  }
0x4: {  	s16 =	simm.s32 $0x0;
	s17 =	simm.s32 $0x0;
	s8 =	simm.s32 $0x0  }
0x5: {  	s10 =	simm.s32 $0x0;
	s12 =	simm.s32 $0x0;
	s11 =	simm.s32 $0x0  }
.Ltmp0:
0x6: {  	s9 =	simm.s32 $0x0;
	s29 =	sshll.u32 s1, $0x4;
	(pc) =	sbr.rel .LBB1_1-.Ltmp0, $4  }
0x7: {  	s6 =	sadd.s32 $0x800, s0;
	[sflag:s30] =	ssyncpa.u1 $0x0;
	s0 =	sand.u32 $0x10, s29  }
0x8: {  	s7 =	sand.u32 $0x7, s2;
	[dreg:$0x3] =	wrdreg s6;
	s0 =	sor.u32 s2, s0  }
0x9: {  	[sflag:s31] =	ssyncpa.u1 $0x0;
	[dreg:$0x4] =	wrdreg s7;
	s22 =	sshrl.u32 s0, $0x3  }
0xa: {  	s14 =	smov.u32 s7;
	s13 =	smov.u32 s22;
	[dreg:$0x5] =	wrdreg s22  }
.LBB1_9:
0xb: {  	p0 =	sgt.s32 s8, $0x80;
	s3 =	smul.u32 $0xA8000, s12  }
0xc: {  	s0 =	smov.u32 s8;
	s1 =	sshrl.u32 s8, $0x5;
	s27 =	smul.u32 $0xC00, s10  }
0xd: {  	s4 =	sshrl.u32 s8, $0x3;
	s5 =	rddreg [dreg:$0x1];
	s0 =	simm.s32 @!p0 $0x80  }
0xe: {  	s28 =	sand.u32 $0x7, s8;
	s1 =	sand.u32 $0xFFFFFC, s1;
	s0 =	sadd.s32 s19, s0  }
0xf: {  	s29 =	rddreg [dreg:$0x6];
	s26 =	smulhi.u32 $0x2AAAAAB, s1;
	s2 =	sadd.s32 $0xFFFFFF80, s0  }
0x10: {  	s6 =	rddreg [dreg:$0x3];
	s0 =	ssub.s32 $0x100, s0;
	p0 =	sgt.s32 s2, $0x7F  }
0x11: {  	s7 =	rddreg [dreg:$0x4];
	s2 =	smul.u32 $0x60, s26;
	s0 =	simm.s32 @p0 $0x0  }
0x12: {  	s31 =	simm.s32 $0x800;
	s22 =	rddreg [dreg:$0x5];
	s0 =	smul.u32 s0, s18  }
0x13: {  	s4 =	sand.u32 $0xF, s4;
	s3 =	sadd.s32 s5, s3;
	s1 =	ssub.s32 s1, s2  }
0x14: {  	s2 =	sadd.s32 s27, s3;
	s3 =	sshll.u32 s28, $0x12;
	s0 =	smul.u32 $0x60, s0  }
0x15: {  	s1 =	sshll.u32 s1, $0x5;
	s2 =	sadd.s32 s4, s2;
	s4 =	sor.u32 $0x8000, s29  }
0x16: {  	s30 =	sor.u32 $0x400, s3;
	s1 =	sadd.s32 s1, s2;
	s0 =	sand.u32 $0x3FFFFFE0, s0  }
0x17: {  	[hbm4b:s1+s30] =	stream.strided.scatter [tilespmem:s4], [sflag:$0x2], s0, s31, s30, $0x20;
	[tilespmem:$0x10100] =	vst v63  }
.LBB1_10:
0x18: {  	p0 =	slt.u32 s9, $0x2  }
0x19: {  	p1 =	sgt.s32 @!p0 s17, $0x7  }
0x1a: {  	s0 =	smov.u32 s17;
	s1 =	sshra.s32 @!p0 s17, $0x1F;
	p1 =	por !p1, p0  }
0x1b: {  	s2 =	smov.u32 s16;
	s1 =	sand.u32 @!p0 s1, s17;
	s0 =	simm.s32 @p1 $0x7  }
0x1c: {  	s3 =	sshra.s32 @!p0 s16, $0x1F;
	p1 =	sgt.s32 @!p0 s16, $0xDF;
	s0 =	ssub.s32 @!p0 s0, s1  }
0x1d: {  	s4 =	sshra.s32 @!p0 s15, $0x1F;
	p2 =	por !p1, p0;
	s1 =	sadd.s32 @!p0 $0xFFFFFFF9, s0  }
0x1e: {  	s2 =	simm.s32 @p2 $0xDF;
	p1 =	sgt.s32 @!p0 s1, $0x0;
	s1 =	sand.u32 @!p0 s3, s16  }
0x1f: {  	s0 =	ssub.s32 @!p0 $0x8, s0;
	p2 =	sgt.s32 @!p0 s15, $0x80;
	s1 =	ssub.s32 @!p0 s2, s1  }
0x20: {  	p2 =	por !p2, p0;
	s3 =	smov.u32 s15;
	s2 =	sadd.s32 @!p0 $0xFFFFFF21, s1  }
0x21: {  	s3 =	simm.s32 @p2 $0x80;
	p2 =	sgt.s32 @!p0 s2, $0x0;
	s2 =	sand.u32 @!p0 s4, s15  }
0x22: {  	s0 =	smul.u32 @!p0 $0x60, s0;
	p1 =	por !p1, p0;
	s2 =	ssub.s32 @!p0 s3, s2  }
0x23: {  	s1 =	ssub.s32 @!p0 $0xE0, s1;
	p2 =	por !p2, p0;
	s3 =	sadd.s32 @!p0 $0xFFFFFF80, s2  }
0x24: {  	s0 =	simm.s32 @!p1 $0x0;
	s1 =	simm.s32 @!p2 $0x0;
	p2 =	sgt.s32 @!p0 s3, $0x7F  }
0x25: {  	s2 =	ssub.s32 @!p0 $0x100, s2;
	s0 =	smul.u32 @!p0 s1, s0;
	p1 =	por !p2, p0  }
0x26: {  	s1 =	sadd.s32 $0x80, s11;
	s3 =	smov.u32 s13;
	s2 =	simm.s32 @!p1 $0x0  }
0x27: {  	p1 =	sgt.s32 s1, $0xDF;
	s0 =	smul.u32 @!p0 s2, s0;
	s2 =	sadd.s32 $0x4, s13  }
0x28: {  	s3 =	smov.u32 @p1 s2  }
0x29: {  	s5 =	smov.u32 s14;
	s2 =	sadd.s32 $0x8, s14;
	p2 =	sgt.s32 s3, $0xDF  }
0x2a: {  	s9 =	sadd.s32 $0x1, s9;
	s5 =	smov.u32 @p2 s2  }
0x2b: {  	s17 =	smov.u32 s12;
	s1 =	simm.s32 @p1 $0x0;
	p1 =	sgt.s32 s5, $0x7  }
0x2c: {  	s12 =	smov.u32 s14;
	s5 =	smov.u32 @p1 s7;
	p1 =	sne.s32 s9, $0x72  }
.Ltmp1:
0x2d: {  	s16 =	smov.u32 s10;
	s10 =	smov.u32 s13;
	(pc) =	sbr.rel @!p1 .LBB1_11-.Ltmp1, $4  }
0x2e: {  	s4 =	simm.s32 @!p0 $0x2;
	s15 =	smov.u32 s8;
	s0 =	sand.u32 @!p0 $0x3FFFFFE0, s0  }
0x2f: {  	s8 =	smov.u32 s11;
	s11 =	smov.u32 s1;
	_ =	swait.ge @!p0 [sflag:s4], s0  }
0x30: {  	s0 =	ssub.s32 @!p0 $0x0, s0;
	s3 =	smov.u32 @p2 s22;
	[sflag:s4] =	ssyncset.done @!p0 $0x0  }
0x31: {  	s13 =	smov.u32 s3;
	[sflag:s4] =	ssyncadd.s32 @!p0 s0;
	s14 =	smov.u32 s5  }
.LBB1_1:
0x32: {  	p0 =	sgt.u32 s9, $0x6F;
	s18 =	smov.u32 s14  }
0x33: {  	s0 =	sand.u32 @!p0 $0x1FFFFFF, s11;
	p1 =	sgt.s32 @!p0 s14, $0x7;
	s19 =	sshra.s32 @!p0 s14, $0x1F  }
0x34: {  	s20 =	sshra.s32 @!p0 s13, $0x1F;
	s1 =	smulhi.u32 @!p0 $0x2492493, s0;
	p1 =	por !p1, p0  }
0x35: {  	s19 =	sand.u32 @!p0 s19, s14;
	s20 =	sand.u32 @!p0 s20, s13;
	s18 =	simm.s32 @p1 $0x7  }
0x36: {  	p1 =	sgt.s32 @!p0 s13, $0xDF;
	s1 =	sshrl.u32 @!p0 s1, $0x1;
	s18 =	ssub.s32 @!p0 s18, s19  }
0x37: {  	p1 =	por !p1, p0;
	s19 =	smov.u32 s13;
	s1 =	smul.u32 @!p0 $0xE0, s1  }
0x38: {  	s19 =	simm.s32 @p1 $0xDF;
	p1 =	sgt.s32 @!p0 s11, $0x60;
	s18 =	sadd.s32 @!p0 $0xFFFFFFF9, s18  }
0x39: {  	s19 =	ssub.s32 @!p0 s19, s20;
	p1 =	por !p1, p0;
	s20 =	smov.u32 s11  }
0x3a: {  	p2 =	sgt.s32 @!p0 s18, $0x0;
	s18 =	sshll.u32 @!p0 s18, $0x7;
	s21 =	sadd.s32 @!p0 $0xFFFFFF21, s19  }
0x3b: {  	s20 =	simm.s32 @p1 $0x60;
	p1 =	sgt.s32 @!p0 s21, $0x0;
	s21 =	sshra.s32 @!p0 s11, $0x1F  }
0x3c: {  	s19 =	ssub.s32 @!p0 $0xE0, s19;
	s18 =	ssub.s32 @!p0 $0x80, s18;
	s21 =	sand.u32 @!p0 s21, s11  }
0x3d: {  	p2 =	por !p2, p0;
	p1 =	por !p1, p0;
	s20 =	ssub.s32 @!p0 s20, s21  }
0x3e: {  	s18 =	simm.s32 @!p2 $0x0;
	s19 =	simm.s32 @!p1 $0x0;
	s21 =	sadd.s32 @!p0 $0xFFFFFFA0, s20  }
0x3f: {  	s0 =	ssub.s32 @!p0 s0, s1;
	s18 =	smul.u32 @!p0 s19, s18;
	p1 =	sgt.s32 @!p0 s21, $0x7F  }
0x40: {  	s19 =	ssub.s32 @!p0 $0xE0, s20;
	s20 =	smul.u32 @!p0 $0xC4000, s14;
	p1 =	por !p1, p0  }
0x41: {  	s1 =	smul.u32 @!p0 $0xE00, s13;
	s21 =	sxor.u32 @!p0 $0xFFFFFFFF, s9;
	s19 =	simm.s32 @!p1 $0x0  }
0x42: {  	s21 =	sshll.u32 @!p0 s21, $0xE;
	s18 =	smul.u32 @!p0 s19, s18;
	s19 =	sadd.s32 @!p0 s6, s20  }
0x43: {  	s0 =	sshll.u32 @!p0 s0, $0x4;
	s20 =	sand.u32 @!p0 $0x4000, s21;
	s1 =	sadd.s32 @!p0 s1, s19  }
0x44: {  	s18 =	sand.u32 @!p0 $0x3FFFFF80, s18;
	s0 =	sadd.s32 @!p0 s0, s1;
	s1 =	simm.s32 @!p0 $0x0  }
0x45: {  	[tilespmem:s20], [sflag:$0x1] =	stream.linear.gather @!p0 [hbm4b:s0+s1], s18, $0x38;
	[tilespmem:$0x10100] =	vst v63  }
0x46: {  	p0 =	seq.s32 s9, $0x0  }
0x47: {  	p1 =	seq.s32 @!p0 s9, $0x71  }
0x48: {  	p0 =	por p0, p1  }
.Ltmp2:
0x49: {  	_ = 	snop;
	(pc) =	sbr.rel @p0 .LBB1_10-.Ltmp2, $1  }
0x4a: {  	_ =	sdelay $0x3  }
0x4b: {  	p0 =	sgt.s32 s12, $0x7;
	s0 =	smov.u32 s12;
	s1 =	sshra.s32 s12, $0x1F  }
0x4c: {  	s18 =	sshra.s32 s10, $0x1F;
	s26 =	ssub.s32 $0x0, s8;
	s27 =	sshra.s32 s8, $0x1F  }
0x4d: {  	p1 =	sgt.s32 s8, $0x60;
	s20 =	smov.u32 s8;
	s0 =	simm.s32 @!p0 $0x7  }
0x4e: {  	s1 =	sand.u32 s1, s12;
	p0 =	sgt.s32 s10, $0xDF;
	s18 =	sand.u32 s18, s10  }
0x4f: {  	s20 =	simm.s32 @!p1 $0x60;
	s0 =	ssub.s32 s0, s1;
	s1 =	smov.u32 s10  }
0x50: {  	s19 =	sadd.s32 $0xFFFFFFF9, s0;
	s1 =	simm.s32 @!p0 $0xDF;
	s0 =	ssub.s32 $0x8, s0  }
0x51: {  	p0 =	sgt.s32 s19, $0x0;
	s1 =	ssub.s32 s1, s18;
	s19 =	sand.u32 s26, s27  }
0x52: {  	s21 =	sadd.s32 $0xFFFFFF21, s1;
	s1 =	ssub.s32 $0xE0, s1;
	s18 =	sadd.s32 s19, s20  }
0x53: {  	s0 =	simm.s32 @p0 $0x0;
	p1 =	sgt.s32 s21, $0x0;
	s20 =	sadd.s32 $0xFFFFFFA0, s18  }
0x54: {  	s1 =	simm.s32 @p1 $0x0;
	s28 =	sshll.u32 s20, $0x7;
	p0 =	sgt.s32 s20, $0x7F  }
0x55: {  	s18 =	smul.u32 s0, s1;
	s0 =	ssub.s32 $0x4000, s28;
	s1 =	sadd.s32 $0x1, s12  }
0x56: {  	s20 =	sadd.s32 $0x1, s10;
	s0 =	simm.s32 @p0 $0x0;
	p0 =	slt.s32 s1, $0x8  }
0x57: {  	s1 =	simm.s32 @!p0 $0x8;
	p0 =	slt.s32 s20, $0xE0  }
0x58: {  	s21 =	ssub.s32 s1, s12;
	s20 =	simm.s32 @!p0 $0xE0;
	s1 =	sadd.s32 $0x80, s8  }
0x59: {  	s22 =	ssub.s32 s20, s10;
	p1 =	slt.s32 s1, $0xE0;
	p0 =	slt.s32 s21, $0x1  }
0x5a: {  	s1 =	simm.s32 @!p1 $0xE0;
	p1 =	slt.s32 @!p0 s22, $0x1  }
0x5b: {  	s23 =	ssub.s32 s1, s8;
	p1 =	por p0, p1  }
0x5c: {  	p2 =	slt.s32 @!p1 s23, $0x1  }
0x5d: {  	s0 =	smul.u32 s18, s0;
	p1 =	por p1, p2  }
.Ltmp3:
0x5e: {  	_ = 	snop;
	(pc) =	sbr.rel @p1 .LBB1_9-.Ltmp3, $4  }
0x5f: {  	s2 =	simm.s32 $0x1;
	s29 =	sand.u32 $0x3FFFFF80, s0;
	s0 =	sand.u32 $0x1, s9  }
0x60: {  	_ =	swait.ge [sflag:s2], s29;
	s31 =	smul.u32 $0x4080, s0  }
0x61: {  	s30 =	ssub.s32 $0x0, s29;
	[sflag:s2] =	ssyncset.done $0x0  }
0x62: {  	[sflag:s2] =	ssyncadd.s32 s30;
	[dreg:$0x6] =	wrdreg s31  }
0x63: {  	s24 =	sshll.u32 @!p0 s0, $0xE;
	s0 =	rddreg [dreg:$0x6]  }
0x64: {  	s26 =	simm.s32 $0x0;
	s25 =	sor.u32 @!p0 $0x8000, s0  }
.LBB1_4:
0x65: {  	s27 =	simm.s32 $0x0  }
.LBB1_5:
0x66: {  	s0 =	sadd.s32 s26, s27  }
0x67: {  	s1 =	sshll.u32 s0, $0x10  }
0x68: {  	s1 =	sshra.s32 s1, $0x2  }
0x69: {  	s1 =	sadd.s32 s1, s24  }
0x6a: {  	s29 =	simm.s32 $0x0;
	s7 =	simm.s32 $0x0;
	s0 =	smul.u32 $0x10200, s0;
	v0 =	vmov s1  }
0x6b: {  	s31 =	simm.s32 $0x10;
	s4 =	simm.s32 $0x30;
	s3 =	simm.s32 $0x50  }
0x6c: {  	s31 =	sand.u32 $0x78, s31;
	s4 =	sand.u32 $0x78, s4;
	s0 =	sshra.s32 s0, $0x2  }
0x6d: {  	s31 =	smul.u32 $0x204, s31;
	s28 =	sadd.s32 s0, s25;
	s0 =	sand.u32 $0x78, s7  }
0x6e: {  	s4 =	smul.u32 $0x204, s4;
	s1 =	sand.u32 $0x3F80, s29;
	s2 =	sxor.u32 $0x40, s0  }
0x6f: {  	s30 =	simm.s32 $0x1;
	s3 =	sand.u32 $0x78, s3;
	s2 =	smul.u32 $0x204, s2;
	v1 =	vld.idx.msk [tilespmem:v0+s1+$0x40 ss:$0x1], $0xffff  }
0x70: {  	p0 =	sne.s32 s23, $0x1;
	s5 =	sand.u32 $0x7F, s29;
	s3 =	smul.u32 $0x204, s3  }
0x71: {  	s7 =	simm.s32 $0x20;
	s0 =	smul.u32 $0x204, s0;
	s2 =	sshrl.u32 s2, $0x2;
	v2 =	vld.idx.msk [tilespmem:v0+s1+$0x0 ss:$0x1], $0xffff  }
0x72: {  	s31 =	sshrl.u32 s31, $0x2;
	s7 =	sand.u32 $0x78, s7;
	v3 =	vld.idx.msk [tilespmem:v0+s1+$0x10 ss:$0x1], $0xffff;
	s2 =	sadd.s32 s2, s28  }
0x73: {  	s7 =	smul.u32 $0x204, s7;
	s0 =	sshrl.u32 s0, $0x2;
	v4 =	vld.idx.msk [tilespmem:v0+s1+$0x20 ss:$0x1], $0xffff;
	s2 =	sadd.s32 s5, s2  }
.Ltmp4:
0x74: {  	s4 =	sshrl.u32 s4, $0x2;
	s0 =	sadd.s32 s0, s28;
	[tilespmem:s2+$0x0 ss:$0x81] =	vst.msk $0xffff, v1;
	v1 =	vld.idx.msk [tilespmem:v0+s1+$0x30 ss:$0x1], $0xffff;
	(pc) =	sbr.rel @!p0 .LBB1_7-.Ltmp4, $4  }
0x75: {  	s20 =	sadd.s32 s31, s28;
	s7 =	sshrl.u32 s7, $0x2;
	s0 =	sadd.s32 s5, s0  }
0x76: {  	s3 =	sshrl.u32 s3, $0x2;
	s7 =	sadd.s32 s7, s28;
	[tilespmem:s0+$0x0 ss:$0x81] =	vst.msk $0xffff, v2;
	s2 =	sadd.s32 s5, s20;
	v2 =	vld.idx.msk [tilespmem:v0+s1+$0x50 ss:$0x1], $0xffff  }
0x77: {  	s6 =	sadd.s32 s4, s28;
	s20 =	sadd.s32 s5, s7;
	[tilespmem:s2+$0x0 ss:$0x81] =	vst.msk $0xffff, v3;
	s2 =	sadd.s32 s3, s28  }
0x78: {  	s31 =	simm.s32 $0x2808;
	s1 =	sadd.s32 s5, s6;
	[tilespmem:s20+$0x0 ss:$0x81] =	vst.msk $0xffff, v4;
	s0 =	sadd.s32 s5, s2  }
.LBB1_6:
0x79: {  	s2 =	sadd.s32 $0xFFFFD800, s31;
	s3 =	sadd.s32 $0xFFFFE000, s31;
	[tilespmem:s1+$0x0 ss:$0x81] =	vst.msk $0xffff, v1;
	s1 =	smov.u32 s30  }
0x7a: {  	s30 =	sadd.s32 $0x1, s30;
	s29 =	sadd.s32 $0x80, s29;
	s4 =	sadd.s32 $0xFFFFE800, s31  }
0x7b: {  	s5 =	sadd.s32 $0xFFFFF000, s31;
	s2 =	sshrl.u32 s2, $0x7;
	p0 =	sne.s32 s23, s30;
	[tilespmem:s0+$0x0 ss:$0x81] =	vst.msk $0xffff, v2  }
0x7c: {  	s6 =	sshrl.u32 s31, $0x7;
	s0 =	sand.u32 $0x3F80, s29;
	s2 =	sand.u32 $0x78, s2  }
0x7d: {  	s3 =	sshrl.u32 s3, $0x7;
	s4 =	sshrl.u32 s4, $0x7;
	v3 =	vld.idx.msk [tilespmem:v0+s0+$0x40 ss:$0x1], $0xffff;
	s7 =	sxor.u32 $0x40, s2  }
0x7e: {  	s5 =	sshrl.u32 s5, $0x7;
	s6 =	sand.u32 $0x78, s6;
	v4 =	vld.idx.msk [tilespmem:v0+s0+$0x0 ss:$0x1], $0xffff;
	s7 =	smul.u32 $0x204, s7  }
0x7f: {  	s20 =	sand.u32 $0x7F, s1;
	s3 =	sand.u32 $0x78, s3;
	s4 =	sand.u32 $0x78, s4;
	v5 =	vld.idx.msk [tilespmem:v0+s0+$0x10 ss:$0x1], $0xffff  }
0x80: {  	s5 =	sand.u32 $0x78, s5;
	s1 =	smul.u32 $0x204, s2;
	v6 =	vld.idx.msk [tilespmem:v0+s0+$0x20 ss:$0x1], $0xffff;
	s7 =	sshrl.u32 s7, $0x2  }
0x81: {  	s3 =	smul.u32 $0x204, s3;
	v1 =	vld.idx.msk [tilespmem:v0+s0+$0x30 ss:$0x1], $0xffff;
	s2 =	sadd.s32 s7, s28  }
0x82: {  	s2 =	sadd.s32 s20, s2;
	v2 =	vld.idx.msk [tilespmem:v0+s0+$0x50 ss:$0x1], $0xffff;
	s0 =	sshrl.u32 s1, $0x2;
	s1 =	smul.u32 $0x204, s4  }
0x83: {  	s4 =	smul.u32 $0x204, s6;
	[tilespmem:s2+$0x0 ss:$0x81] =	vst.msk $0xffff, v3  }
0x84: {  	s0 =	sadd.s32 s0, s28;
	s2 =	sshrl.u32 s3, $0x2;
	s3 =	smul.u32 $0x204, s5  }
.Ltmp5:
0x85: {  	s2 =	sadd.s32 s2, s28;
	s1 =	sshrl.u32 s1, $0x2;
	(pc) =	sbr.rel @p0 .LBB1_6-.Ltmp5, $4  }
0x86: {  	s0 =	sadd.s32 s20, s0;
	s1 =	sadd.s32 s1, s28;
	s3 =	sshrl.u32 s3, $0x2  }
0x87: {  	[tilespmem:s0+$0x0 ss:$0x81] =	vst.msk $0xffff, v4;
	s0 =	sadd.s32 s20, s2;
	s2 =	sadd.s32 s3, s28;
	s3 =	sshrl.u32 s4, $0x2  }
0x88: {  	[tilespmem:s0+$0x0 ss:$0x81] =	vst.msk $0xffff, v5;
	s0 =	sadd.s32 s20, s1;
	s1 =	sadd.s32 s20, s2;
	s2 =	sadd.s32 s3, s28  }
0x89: {  	s31 =	sadd.s32 $0x8, s31;
	[tilespmem:s0+$0x0 ss:$0x81] =	vst.msk $0xffff, v6;
	s0 =	sadd.s32 s20, s2  }
.LBB1_7:
0x8a: {  	s27 =	sadd.s32 $0x1, s27  }
0x8b: {  	p0 =	sne.s32 s27, s22  }
.Ltmp6:
0x8c: {  	_ = 	snop;
	(pc) =	sbr.rel @p0 .LBB1_5-.Ltmp6, $3  }
0x8d: {  	_ =	sdelay $0x1  }
0x8e: {  	[tilespmem:s1+$0x0 ss:$0x81] =	vst.msk $0xffff, v1  }
0x8f: {  	[tilespmem:s0+$0x0 ss:$0x81] =	vst.msk $0xffff, v2  }
0x90: {  	s26 =	sadd.s32 $0x1, s26  }
0x91: {  	p0 =	sne.s32 s26, s21  }
.Ltmp7:
0x92: {  	_ = 	snop;
	(pc) =	sbr.rel @p0 .LBB1_4-.Ltmp7, $4  }
.Ltmp8:
0x93: {  	_ = 	snop;
	(pc) =	sbr.rel @!p0 .LBB1_9-.Ltmp8, $4  }
0x94: {  	_ = 	snop  }
0x95: {  	_ = 	snop  }
0x96: {  	_ = 	snop  }
0x97: {  	_ = 	snop  }
.LBB1_11:
0x98: {  	_ =	sfence.sel $0x180000  }
0x99: {  	s0 =	simm.s32 $0x1;
	[bflag:$0x0] =	sbarrier.arrive $0xFFFF  }
0x9a: {  	s30 =	simm.s32 $0x2;
	[sflag:s0] =	ssyncpa.u1 $0x1  }
0x9b: {  	[sflag:s30] =	ssyncpa.u1 $0x1  }
0x9c: {  	_ =	strace $0x9000004A  }
0x9d: {  	s31 =	stileid.u32;
	[bflag:$0x2] =	sbarrier.arrive $0xFFFF  }
0x9e: {  	p0 =	sne.s32 s31, $0x0;
	s0 =	rddreg [dreg:$0x2]  }
0x9f: {  	s0 =	sadd.s32 @!p0 $0x100000, s0  }
0xa0: {  	[sflag:s0] =	ssyncadd.tile.s32 @!p0 $0x1;
	_ =	shalt  }
.Lfunc_end1:
_tile_overlayer_lowered:
.L_overlay_start_2:
0xa1: {  	(tag) =	ssettag $0x2  }
0xa2: {  	s0 =	rddreg [dreg:$0x0];
	s2 =	stileid.u32  }
0xa3: {  	s1 =	rddreg [dreg:$0x1];
	p0 =	sne.s32 s2, $0x0  }
0xa4: {  	s3 =	rddreg [dreg:$0x2];
	[bflag:$0x3] =	sbarrier.arrive $0xFFFF;
	s2 =	simm.s32 @!p0 $0x1C01  }
0xa5: {  	[timem:s3], [sflag:s2] =	dma.local @!p0 [hbm:s0], s1  }
0xa6: {  	s0 =	simm.s32 @!p0 $0x1  }
0xa7: {  	_ =	swait.ge @!p0 [sflag:s0], s1  }
0xa8: {  	s1 =	ssub.s32 @!p0 $0x0, s1;
	[sflag:s0] =	ssyncset.done @!p0 $0x0  }
0xa9: {  	[sflag:s0] =	ssyncadd.s32 @!p0 s1  }
0xaa: {  	[bflag:$0x3] =	sbarrier.arrive $0xFFFF  }
0xab: {  	_ =	shalt  }

</sc_bundles>
